<compile_context>
chip_gen: v7x
topology: tpu7x:2x2x1
jax: 0.10.2.dev20260603
libtpu: 0.0.44.dev20260713+nightly
codegen_flags: <defaults>
</compile_context>

<pallas_src>
import functools

import jax
import jax.numpy as jnp
from jax import lax
from jax.experimental import pallas as pl
from jax.experimental.pallas import tpu as pltpu
from jax.experimental.pallas import tpu_sc as plsc

BATCH = 16384
EMB_DIM = 32
NC = 2
NS = 16
NW = NC * NS
B_PER_W = BATCH // NW
CHUNK = 128
NCHUNK = B_PER_W // CHUNK


def _body(uid_hbm, iid_hbm, uemb_hbm, iemb_hbm, out_hbm,
          uid_v, iid_v, urows_v, irows_v, out_v, sem):
  wid = lax.axis_index("s") * NC + lax.axis_index("c")
  base = wid * B_PER_W

  for k in range(NCHUNK):
    pltpu.sync_copy(uid_hbm.at[pl.ds(base + k * CHUNK, CHUNK)], uid_v.at[k])
    pltpu.sync_copy(iid_hbm.at[pl.ds(base + k * CHUNK, CHUNK)], iid_v.at[k])

  copies = []
  for k in range(NCHUNK):
    copies.append(pltpu.async_copy(
        uemb_hbm.at[uid_v.at[k]], urows_v.at[pl.ds(k * CHUNK, CHUNK)], sem))
    copies.append(pltpu.async_copy(
        iemb_hbm.at[iid_v.at[k]], irows_v.at[pl.ds(k * CHUNK, CHUNK)], sem))
  for c in copies:
    c.wait()

  lane = jnp.arange(16, dtype=jnp.int32)

  def group(g, _):
    rid = g * 16 + lane
    acc = jnp.zeros((16,), jnp.float32)
    for d in range(EMB_DIM):
      dd = jnp.full((16,), d, jnp.int32)
      uv = plsc.load_gather(urows_v, [rid, dd])
      iv = plsc.load_gather(irows_v, [rid, dd])
      acc = acc + uv * iv
    sig = 1.0 / (1.0 + jnp.exp(-acc))
    plsc.store_scatter(out_v, [rid], sig)
    return _

  lax.fori_loop(0, B_PER_W // 16, group, None)
  pltpu.sync_copy(out_v, out_hbm.at[pl.ds(base, B_PER_W)])


@jax.jit
def _run(user_ids, item_ids, user_emb, item_emb):
  mesh = plsc.VectorSubcoreMesh(core_axis_name="c", subcore_axis_name="s")
  k = pl.kernel(
      _body,
      out_type=jax.ShapeDtypeStruct((BATCH,), jnp.float32),
      mesh=mesh,
      compiler_params=pltpu.CompilerParams(
          needs_layout_passes=False, use_tc_tiling_on_sc=False),
      scratch_types=[
          pltpu.VMEM((NCHUNK, CHUNK), jnp.int32),
          pltpu.VMEM((NCHUNK, CHUNK), jnp.int32),
          pltpu.VMEM((B_PER_W, EMB_DIM), jnp.float32),
          pltpu.VMEM((B_PER_W, EMB_DIM), jnp.float32),
          pltpu.VMEM((B_PER_W,), jnp.float32),
          pltpu.SemaphoreType.DMA,
      ],
  )
  return k(user_ids, item_ids, user_emb, item_emb)


def kernel(user_ids, item_ids, user_emb, item_emb):
  return _run(user_ids.astype(jnp.int32), item_ids.astype(jnp.int32),
              user_emb, item_emb)

# --- scband reference (transcript-rebuilt; emitter-appended) ---
"""Pipeline reference for scband-recommender-net-16234976379381 (READ-ONLY COPY).

The authoritative reference and input builder live on the scoring server;
editing this copy changes nothing except your own understanding.
"""

import jax, jax.numpy as jnp
import numpy as np

NUM_USERS = 100000
NUM_ITEMS = 1000000
EMB_DIM = 32
BATCH = 16384

def setup_inputs(seed: int = 0) -> dict:
    key = jax.random.key(seed)
    k1, k2, k3, k4 = jax.random.split(key, 4)
    user_ids = jax.random.randint(k1, (BATCH,), 0, NUM_USERS, dtype=jnp.int64 if jax.config.jax_enable_x64 else jnp.int32)
    item_ids = jax.random.randint(k2, (BATCH,), 0, NUM_ITEMS, dtype=jnp.int64 if jax.config.jax_enable_x64 else jnp.int32)
    user_emb = jax.random.normal(k3, (NUM_USERS, EMB_DIM), dtype=jnp.float32)
    item_emb = jax.random.normal(k4, (NUM_ITEMS, EMB_DIM), dtype=jnp.float32)
    return {"user_ids": user_ids, "item_ids": item_ids, "user_emb": user_emb, "item_emb": item_emb}

def reference(user_ids, item_ids, user_emb, item_emb):
    u = jnp.take(user_emb, user_ids, axis=0)
    i = jnp.take(item_emb, item_ids, axis=0)
    return jax.nn.sigmoid(jnp.sum(u * i, axis=1))

if __name__ == "__main__":
    import jax
    _d = setup_inputs()
    print(jax.jit(kernel)(*tuple(_d.values())))

</pallas_src>

<mosaic_0001>
#map = affine_map<(d0, d1) -> (0)>
#map1 = affine_map<(d0, d1) -> (0, 0)>
module attributes {stable_mosaic.version = 14 : i64} {
  func.func @_body(%arg0: i32, %arg1: i32, %arg2: memref<16384xi32, #tpu.memory_space<hbm>>, %arg3: memref<16384xi32, #tpu.memory_space<hbm>>, %arg4: memref<100000x32xf32, #tpu.memory_space<hbm>>, %arg5: memref<1000000x32xf32, #tpu.memory_space<hbm>>, %arg6: memref<16384xf32, #tpu.memory_space<hbm>>, %arg7: memref<4x128xi32, #tpu.memory_space<vmem>>, %arg8: memref<4x128xi32, #tpu.memory_space<vmem>>, %arg9: memref<512x32xf32, #tpu.memory_space<vmem>>, %arg10: memref<512x32xf32, #tpu.memory_space<vmem>>, %arg11: memref<512xf32, #tpu.memory_space<vmem>>, %arg12: memref<!tpu.dma_semaphore, #tpu.memory_space<semaphore_mem>>) attributes {dimension_semantics = [#tpu.dimension_semantics<core_parallel>, #tpu.dimension_semantics<subcore_parallel>], iteration_bounds = array<i64: 2, 16>, scalar_prefetch = 0 : i64, scratch_operands = 6 : i64, tpu.core_type = #tpu.core_type<sc_vector_subcore>, window_params = [{transform_indices = #map}, {transform_indices = #map}, {transform_indices = #map1}, {transform_indices = #map1}, {transform_indices = #map}]} {
    %mul3A = arith.constant 2 : i32
    %mul3A_0 = arith.muli %arg1, %mul3A : i32
    %add3A = arith.addi %mul3A_0, %arg0 : i32
    %mul3A_1 = arith.constant 512 : i32
    %mul3A_2 = arith.muli %add3A, %mul3A_1 : i32
    %add3A_3 = arith.constant 0 : i32
    %add3A_4 = arith.addi %mul3A_2, %add3A_3 : i32
    %run_scoped3A = arith.constant 0 : i32
    "tpu.region"() ({
      %run_scoped3A_188 = tpu.sem_alloc : memref<!tpu.dma_semaphore, #tpu.memory_space<semaphore_mem>>
      %dma_start3A_189 = arith.constant 0 : i32
      %dma_start3A_190 = tpu.memref_slice %arg7[%run_scoped3A, %dma_start3A_189] : memref<4x128xi32, #tpu.memory_space<vmem>> -> memref<1x128xi32, #tpu.memory_space<vmem>>
      %dma_start3A_191 = tpu.memref_squeeze %dma_start3A_190 : memref<1x128xi32, #tpu.memory_space<vmem>> -> memref<128xi32, #tpu.memory_space<vmem>>
      %dma_start3A_192 = tpu.memref_slice %arg2[%add3A_4] : memref<16384xi32, #tpu.memory_space<hbm>> -> memref<128xi32, #tpu.memory_space<hbm>>
      %dma_start3A_193 = arith.constant 0 : i32
      %dma_start3A_194 = tpu.memref_slice %arg7[%run_scoped3A, %dma_start3A_193] : memref<4x128xi32, #tpu.memory_space<vmem>> -> memref<1x128xi32, #tpu.memory_space<vmem>>
      %dma_start3A_195 = tpu.memref_squeeze %dma_start3A_194 : memref<1x128xi32, #tpu.memory_space<vmem>> -> memref<128xi32, #tpu.memory_space<vmem>>
      %dma_start3A_196 = tpu.memref_slice %arg2[%add3A_4] : memref<16384xi32, #tpu.memory_space<hbm>> -> memref<128xi32, #tpu.memory_space<hbm>>
      tpu.enqueue_dma source(%dma_start3A_196 : memref<128xi32, #tpu.memory_space<hbm>>) target(%dma_start3A_195 : memref<128xi32, #tpu.memory_space<vmem>>) target_semaphore(%run_scoped3A_188 : memref<!tpu.dma_semaphore, #tpu.memory_space<semaphore_mem>>)
      %dma_wait3A_197 = arith.constant 0 : i32
      %dma_wait3A_198 = tpu.memref_slice %arg7[%run_scoped3A, %dma_wait3A_197] : memref<4x128xi32, #tpu.memory_space<vmem>> -> memref<1x128xi32, #tpu.memory_space<vmem>>
      %dma_wait3A_199 = tpu.memref_squeeze %dma_wait3A_198 : memref<1x128xi32, #tpu.memory_space<vmem>> -> memref<128xi32, #tpu.memory_space<vmem>>
      %dma_wait3A_200 = tpu.memref_slice %arg2[%add3A_4] : memref<16384xi32, #tpu.memory_space<hbm>> -> memref<128xi32, #tpu.memory_space<hbm>>
      %dma_wait3A_201 = arith.constant 0 : i32
      %dma_wait3A_202 = tpu.memref_slice %arg7[%run_scoped3A, %dma_wait3A_201] : memref<4x128xi32, #tpu.memory_space<vmem>> -> memref<1x128xi32, #tpu.memory_space<vmem>>
      %dma_wait3A_203 = tpu.memref_squeeze %dma_wait3A_202 : memref<1x128xi32, #tpu.memory_space<vmem>> -> memref<128xi32, #tpu.memory_space<vmem>>
      %dma_wait3A_204 = tpu.memref_slice %arg2[%add3A_4] : memref<16384xi32, #tpu.memory_space<hbm>> -> memref<128xi32, #tpu.memory_space<hbm>>
      tpu.wait_dma2 semaphore(%run_scoped3A_188 : memref<!tpu.dma_semaphore, #tpu.memory_space<semaphore_mem>>) src(%dma_wait3A_204 : memref<128xi32, #tpu.memory_space<hbm>>) dst(%dma_wait3A_203 : memref<128xi32, #tpu.memory_space<vmem>>)
      tpu.yield
    }) : () -> ()
    %add3A_5 = arith.constant 0 : i32
    %add3A_6 = arith.addi %mul3A_2, %add3A_5 : i32
    %run_scoped3A_7 = arith.constant 0 : i32
    "tpu.region"() ({
      %run_scoped3A_188 = tpu.sem_alloc : memref<!tpu.dma_semaphore, #tpu.memory_space<semaphore_mem>>
      %dma_start3A_189 = arith.constant 0 : i32
      %dma_start3A_190 = tpu.memref_slice %arg8[%run_scoped3A_7, %dma_start3A_189] : memref<4x128xi32, #tpu.memory_space<vmem>> -> memref<1x128xi32, #tpu.memory_space<vmem>>
      %dma_start3A_191 = tpu.memref_squeeze %dma_start3A_190 : memref<1x128xi32, #tpu.memory_space<vmem>> -> memref<128xi32, #tpu.memory_space<vmem>>
      %dma_start3A_192 = tpu.memref_slice %arg3[%add3A_6] : memref<16384xi32, #tpu.memory_space<hbm>> -> memref<128xi32, #tpu.memory_space<hbm>>
      %dma_start3A_193 = arith.constant 0 : i32
      %dma_start3A_194 = tpu.memref_slice %arg8[%run_scoped3A_7, %dma_start3A_193] : memref<4x128xi32, #tpu.memory_space<vmem>> -> memref<1x128xi32, #tpu.memory_space<vmem>>
      %dma_start3A_195 = tpu.memref_squeeze %dma_start3A_194 : memref<1x128xi32, #tpu.memory_space<vmem>> -> memref<128xi32, #tpu.memory_space<vmem>>
      %dma_start3A_196 = tpu.memref_slice %arg3[%add3A_6] : memref<16384xi32, #tpu.memory_space<hbm>> -> memref<128xi32, #tpu.memory_space<hbm>>
      tpu.enqueue_dma source(%dma_start3A_196 : memref<128xi32, #tpu.memory_space<hbm>>) target(%dma_start3A_195 : memref<128xi32, #tpu.memory_space<vmem>>) target_semaphore(%run_scoped3A_188 : memref<!tpu.dma_semaphore, #tpu.memory_space<semaphore_mem>>)
      %dma_wait3A_197 = arith.constant 0 : i32
      %dma_wait3A_198 = tpu.memref_slice %arg8[%run_scoped3A_7, %dma_wait3A_197] : memref<4x128xi32, #tpu.memory_space<vmem>> -> memref<1x128xi32, #tpu.memory_space<vmem>>
      %dma_wait3A_199 = tpu.memref_squeeze %dma_wait3A_198 : memref<1x128xi32, #tpu.memory_space<vmem>> -> memref<128xi32, #tpu.memory_space<vmem>>
      %dma_wait3A_200 = tpu.memref_slice %arg3[%add3A_6] : memref<16384xi32, #tpu.memory_space<hbm>> -> memref<128xi32, #tpu.memory_space<hbm>>
      %dma_wait3A_201 = arith.constant 0 : i32
      %dma_wait3A_202 = tpu.memref_slice %arg8[%run_scoped3A_7, %dma_wait3A_201] : memref<4x128xi32, #tpu.memory_space<vmem>> -> memref<1x128xi32, #tpu.memory_space<vmem>>
      %dma_wait3A_203 = tpu.memref_squeeze %dma_wait3A_202 : memref<1x128xi32, #tpu.memory_space<vmem>> -> memref<128xi32, #tpu.memory_space<vmem>>
      %dma_wait3A_204 = tpu.memref_slice %arg3[%add3A_6] : memref<16384xi32, #tpu.memory_space<hbm>> -> memref<128xi32, #tpu.memory_space<hbm>>
      tpu.wait_dma2 semaphore(%run_scoped3A_188 : memref<!tpu.dma_semaphore, #tpu.memory_space<semaphore_mem>>) src(%dma_wait3A_204 : memref<128xi32, #tpu.memory_space<hbm>>) dst(%dma_wait3A_203 : memref<128xi32, #tpu.memory_space<vmem>>)
      tpu.yield
    }) : () -> ()
    %add3A_8 = arith.constant 128 : i32
    %add3A_9 = arith.addi %mul3A_2, %add3A_8 : i32
    %run_scoped3A_10 = arith.constant 1 : i32
    "tpu.region"() ({
      %run_scoped3A_188 = tpu.sem_alloc : memref<!tpu.dma_semaphore, #tpu.memory_space<semaphore_mem>>
      %dma_start3A_189 = arith.constant 0 : i32
      %dma_start3A_190 = tpu.memref_slice %arg7[%run_scoped3A_10, %dma_start3A_189] : memref<4x128xi32, #tpu.memory_space<vmem>> -> memref<1x128xi32, #tpu.memory_space<vmem>>
      %dma_start3A_191 = tpu.memref_squeeze %dma_start3A_190 : memref<1x128xi32, #tpu.memory_space<vmem>> -> memref<128xi32, #tpu.memory_space<vmem>>
      %dma_start3A_192 = tpu.memref_slice %arg2[%add3A_9] : memref<16384xi32, #tpu.memory_space<hbm>> -> memref<128xi32, #tpu.memory_space<hbm>>
      %dma_start3A_193 = arith.constant 0 : i32
      %dma_start3A_194 = tpu.memref_slice %arg7[%run_scoped3A_10, %dma_start3A_193] : memref<4x128xi32, #tpu.memory_space<vmem>> -> memref<1x128xi32, #tpu.memory_space<vmem>>
      %dma_start3A_195 = tpu.memref_squeeze %dma_start3A_194 : memref<1x128xi32, #tpu.memory_space<vmem>> -> memref<128xi32, #tpu.memory_space<vmem>>
      %dma_start3A_196 = tpu.memref_slice %arg2[%add3A_9] : memref<16384xi32, #tpu.memory_space<hbm>> -> memref<128xi32, #tpu.memory_space<hbm>>
      tpu.enqueue_dma source(%dma_start3A_196 : memref<128xi32, #tpu.memory_space<hbm>>) target(%dma_start3A_195 : memref<128xi32, #tpu.memory_space<vmem>>) target_semaphore(%run_scoped3A_188 : memref<!tpu.dma_semaphore, #tpu.memory_space<semaphore_mem>>)
      %dma_wait3A_197 = arith.constant 0 : i32
      %dma_wait3A_198 = tpu.memref_slice %arg7[%run_scoped3A_10, %dma_wait3A_197] : memref<4x128xi32, #tpu.memory_space<vmem>> -> memref<1x128xi32, #tpu.memory_space<vmem>>
      %dma_wait3A_199 = tpu.memref_squeeze %dma_wait3A_198 : memref<1x128xi32, #tpu.memory_space<vmem>> -> memref<128xi32, #tpu.memory_space<vmem>>
      %dma_wait3A_200 = tpu.memref_slice %arg2[%add3A_9] : memref<16384xi32, #tpu.memory_space<hbm>> -> memref<128xi32, #tpu.memory_space<hbm>>
      %dma_wait3A_201 = arith.constant 0 : i32
      %dma_wait3A_202 = tpu.memref_slice %arg7[%run_scoped3A_10, %dma_wait3A_201] : memref<4x128xi32, #tpu.memory_space<vmem>> -> memref<1x128xi32, #tpu.memory_space<vmem>>
      %dma_wait3A_203 = tpu.memref_squeeze %dma_wait3A_202 : memref<1x128xi32, #tpu.memory_space<vmem>> -> memref<128xi32, #tpu.memory_space<vmem>>
      %dma_wait3A_204 = tpu.memref_slice %arg2[%add3A_9] : memref<16384xi32, #tpu.memory_space<hbm>> -> memref<128xi32, #tpu.memory_space<hbm>>
      tpu.wait_dma2 semaphore(%run_scoped3A_188 : memref<!tpu.dma_semaphore, #tpu.memory_space<semaphore_mem>>) src(%dma_wait3A_204 : memref<128xi32, #tpu.memory_space<hbm>>) dst(%dma_wait3A_203 : memref<128xi32, #tpu.memory_space<vmem>>)
      tpu.yield
    }) : () -> ()
    %add3A_11 = arith.constant 128 : i32
    %add3A_12 = arith.addi %mul3A_2, %add3A_11 : i32
    %run_scoped3A_13 = arith.constant 1 : i32
    "tpu.region"() ({
      %run_scoped3A_188 = tpu.sem_alloc : memref<!tpu.dma_semaphore, #tpu.memory_space<semaphore_mem>>
      %dma_start3A_189 = arith.constant 0 : i32
      %dma_start3A_190 = tpu.memref_slice %arg8[%run_scoped3A_13, %dma_start3A_189] : memref<4x128xi32, #tpu.memory_space<vmem>> -> memref<1x128xi32, #tpu.memory_space<vmem>>
      %dma_start3A_191 = tpu.memref_squeeze %dma_start3A_190 : memref<1x128xi32, #tpu.memory_space<vmem>> -> memref<128xi32, #tpu.memory_space<vmem>>
      %dma_start3A_192 = tpu.memref_slice %arg3[%add3A_12] : memref<16384xi32, #tpu.memory_space<hbm>> -> memref<128xi32, #tpu.memory_space<hbm>>
      %dma_start3A_193 = arith.constant 0 : i32
      %dma_start3A_194 = tpu.memref_slice %arg8[%run_scoped3A_13, %dma_start3A_193] : memref<4x128xi32, #tpu.memory_space<vmem>> -> memref<1x128xi32, #tpu.memory_space<vmem>>
      %dma_start3A_195 = tpu.memref_squeeze %dma_start3A_194 : memref<1x128xi32, #tpu.memory_space<vmem>> -> memref<128xi32, #tpu.memory_space<vmem>>
      %dma_start3A_196 = tpu.memref_slice %arg3[%add3A_12] : memref<16384xi32, #tpu.memory_space<hbm>> -> memref<128xi32, #tpu.memory_space<hbm>>
      tpu.enqueue_dma source(%dma_start3A_196 : memref<128xi32, #tpu.memory_space<hbm>>) target(%dma_start3A_195 : memref<128xi32, #tpu.memory_space<vmem>>) target_semaphore(%run_scoped3A_188 : memref<!tpu.dma_semaphore, #tpu.memory_space<semaphore_mem>>)
      %dma_wait3A_197 = arith.constant 0 : i32
      %dma_wait3A_198 = tpu.memref_slice %arg8[%run_scoped3A_13, %dma_wait3A_197] : memref<4x128xi32, #tpu.memory_space<vmem>> -> memref<1x128xi32, #tpu.memory_space<vmem>>
      %dma_wait3A_199 = tpu.memref_squeeze %dma_wait3A_198 : memref<1x128xi32, #tpu.memory_space<vmem>> -> memref<128xi32, #tpu.memory_space<vmem>>
      %dma_wait3A_200 = tpu.memref_slice %arg3[%add3A_12] : memref<16384xi32, #tpu.memory_space<hbm>> -> memref<128xi32, #tpu.memory_space<hbm>>
      %dma_wait3A_201 = arith.constant 0 : i32
      %dma_wait3A_202 = tpu.memref_slice %arg8[%run_scoped3A_13, %dma_wait3A_201] : memref<4x128xi32, #tpu.memory_space<vmem>> -> memref<1x128xi32, #tpu.memory_space<vmem>>
      %dma_wait3A_203 = tpu.memref_squeeze %dma_wait3A_202 : memref<1x128xi32, #tpu.memory_space<vmem>> -> memref<128xi32, #tpu.memory_space<vmem>>
      %dma_wait3A_204 = tpu.memref_slice %arg3[%add3A_12] : memref<16384xi32, #tpu.memory_space<hbm>> -> memref<128xi32, #tpu.memory_space<hbm>>
      tpu.wait_dma2 semaphore(%run_scoped3A_188 : memref<!tpu.dma_semaphore, #tpu.memory_space<semaphore_mem>>) src(%dma_wait3A_204 : memref<128xi32, #tpu.memory_space<hbm>>) dst(%dma_wait3A_203 : memref<128xi32, #tpu.memory_space<vmem>>)
      tpu.yield
    }) : () -> ()
    %add3A_14 = arith.constant 256 : i32
    %add3A_15 = arith.addi %mul3A_2, %add3A_14 : i32
    %run_scoped3A_16 = arith.constant 2 : i32
    "tpu.region"() ({
      %run_scoped3A_188 = tpu.sem_alloc : memref<!tpu.dma_semaphore, #tpu.memory_space<semaphore_mem>>
      %dma_start3A_189 = arith.constant 0 : i32
      %dma_start3A_190 = tpu.memref_slice %arg7[%run_scoped3A_16, %dma_start3A_189] : memref<4x128xi32, #tpu.memory_space<vmem>> -> memref<1x128xi32, #tpu.memory_space<vmem>>
      %dma_start3A_191 = tpu.memref_squeeze %dma_start3A_190 : memref<1x128xi32, #tpu.memory_space<vmem>> -> memref<128xi32, #tpu.memory_space<vmem>>
      %dma_start3A_192 = tpu.memref_slice %arg2[%add3A_15] : memref<16384xi32, #tpu.memory_space<hbm>> -> memref<128xi32, #tpu.memory_space<hbm>>
      %dma_start3A_193 = arith.constant 0 : i32
      %dma_start3A_194 = tpu.memref_slice %arg7[%run_scoped3A_16, %dma_start3A_193] : memref<4x128xi32, #tpu.memory_space<vmem>> -> memref<1x128xi32, #tpu.memory_space<vmem>>
      %dma_start3A_195 = tpu.memref_squeeze %dma_start3A_194 : memref<1x128xi32, #tpu.memory_space<vmem>> -> memref<128xi32, #tpu.memory_space<vmem>>
      %dma_start3A_196 = tpu.memref_slice %arg2[%add3A_15] : memref<16384xi32, #tpu.memory_space<hbm>> -> memref<128xi32, #tpu.memory_space<hbm>>
      tpu.enqueue_dma source(%dma_start3A_196 : memref<128xi32, #tpu.memory_space<hbm>>) target(%dma_start3A_195 : memref<128xi32, #tpu.memory_space<vmem>>) target_semaphore(%run_scoped3A_188 : memref<!tpu.dma_semaphore, #tpu.memory_space<semaphore_mem>>)
      %dma_wait3A_197 = arith.constant 0 : i32
      %dma_wait3A_198 = tpu.memref_slice %arg7[%run_scoped3A_16, %dma_wait3A_197] : memref<4x128xi32, #tpu.memory_space<vmem>> -> memref<1x128xi32, #tpu.memory_space<vmem>>
      %dma_wait3A_199 = tpu.memref_squeeze %dma_wait3A_198 : memref<1x128xi32, #tpu.memory_space<vmem>> -> memref<128xi32, #tpu.memory_space<vmem>>
      %dma_wait3A_200 = tpu.memref_slice %arg2[%add3A_15] : memref<16384xi32, #tpu.memory_space<hbm>> -> memref<128xi32, #tpu.memory_space<hbm>>
      %dma_wait3A_201 = arith.constant 0 : i32
      %dma_wait3A_202 = tpu.memref_slice %arg7[%run_scoped3A_16, %dma_wait3A_201] : memref<4x128xi32, #tpu.memory_space<vmem>> -> memref<1x128xi32, #tpu.memory_space<vmem>>
      %dma_wait3A_203 = tpu.memref_squeeze %dma_wait3A_202 : memref<1x128xi32, #tpu.memory_space<vmem>> -> memref<128xi32, #tpu.memory_space<vmem>>
      %dma_wait3A_204 = tpu.memref_slice %arg2[%add3A_15] : memref<16384xi32, #tpu.memory_space<hbm>> -> memref<128xi32, #tpu.memory_space<hbm>>
      tpu.wait_dma2 semaphore(%run_scoped3A_188 : memref<!tpu.dma_semaphore, #tpu.memory_space<semaphore_mem>>) src(%dma_wait3A_204 : memref<128xi32, #tpu.memory_space<hbm>>) dst(%dma_wait3A_203 : memref<128xi32, #tpu.memory_space<vmem>>)
      tpu.yield
    }) : () -> ()
    %add3A_17 = arith.constant 256 : i32
    %add3A_18 = arith.addi %mul3A_2, %add3A_17 : i32
    %run_scoped3A_19 = arith.constant 2 : i32
    "tpu.region"() ({
      %run_scoped3A_188 = tpu.sem_alloc : memref<!tpu.dma_semaphore, #tpu.memory_space<semaphore_mem>>
      %dma_start3A_189 = arith.constant 0 : i32
      %dma_start3A_190 = tpu.memref_slice %arg8[%run_scoped3A_19, %dma_start3A_189] : memref<4x128xi32, #tpu.memory_space<vmem>> -> memref<1x128xi32, #tpu.memory_space<vmem>>
      %dma_start3A_191 = tpu.memref_squeeze %dma_start3A_190 : memref<1x128xi32, #tpu.memory_space<vmem>> -> memref<128xi32, #tpu.memory_space<vmem>>
      %dma_start3A_192 = tpu.memref_slice %arg3[%add3A_18] : memref<16384xi32, #tpu.memory_space<hbm>> -> memref<128xi32, #tpu.memory_space<hbm>>
      %dma_start3A_193 = arith.constant 0 : i32
      %dma_start3A_194 = tpu.memref_slice %arg8[%run_scoped3A_19, %dma_start3A_193] : memref<4x128xi32, #tpu.memory_space<vmem>> -> memref<1x128xi32, #tpu.memory_space<vmem>>
      %dma_start3A_195 = tpu.memref_squeeze %dma_start3A_194 : memref<1x128xi32, #tpu.memory_space<vmem>> -> memref<128xi32, #tpu.memory_space<vmem>>
      %dma_start3A_196 = tpu.memref_slice %arg3[%add3A_18] : memref<16384xi32, #tpu.memory_space<hbm>> -> memref<128xi32, #tpu.memory_space<hbm>>
      tpu.enqueue_dma source(%dma_start3A_196 : memref<128xi32, #tpu.memory_space<hbm>>) target(%dma_start3A_195 : memref<128xi32, #tpu.memory_space<vmem>>) target_semaphore(%run_scoped3A_188 : memref<!tpu.dma_semaphore, #tpu.memory_space<semaphore_mem>>)
      %dma_wait3A_197 = arith.constant 0 : i32
      %dma_wait3A_198 = tpu.memref_slice %arg8[%run_scoped3A_19, %dma_wait3A_197] : memref<4x128xi32, #tpu.memory_space<vmem>> -> memref<1x128xi32, #tpu.memory_space<vmem>>
      %dma_wait3A_199 = tpu.memref_squeeze %dma_wait3A_198 : memref<1x128xi32, #tpu.memory_space<vmem>> -> memref<128xi32, #tpu.memory_space<vmem>>
      %dma_wait3A_200 = tpu.memref_slice %arg3[%add3A_18] : memref<16384xi32, #tpu.memory_space<hbm>> -> memref<128xi32, #tpu.memory_space<hbm>>
      %dma_wait3A_201 = arith.constant 0 : i32
      %dma_wait3A_202 = tpu.memref_slice %arg8[%run_scoped3A_19, %dma_wait3A_201] : memref<4x128xi32, #tpu.memory_space<vmem>> -> memref<1x128xi32, #tpu.memory_space<vmem>>
      %dma_wait3A_203 = tpu.memref_squeeze %dma_wait3A_202 : memref<1x128xi32, #tpu.memory_space<vmem>> -> memref<128xi32, #tpu.memory_space<vmem>>
      %dma_wait3A_204 = tpu.memref_slice %arg3[%add3A_18] : memref<16384xi32, #tpu.memory_space<hbm>> -> memref<128xi32, #tpu.memory_space<hbm>>
      tpu.wait_dma2 semaphore(%run_scoped3A_188 : memref<!tpu.dma_semaphore, #tpu.memory_space<semaphore_mem>>) src(%dma_wait3A_204 : memref<128xi32, #tpu.memory_space<hbm>>) dst(%dma_wait3A_203 : memref<128xi32, #tpu.memory_space<vmem>>)
      tpu.yield
    }) : () -> ()
    %add3A_20 = arith.constant 384 : i32
    %add3A_21 = arith.addi %mul3A_2, %add3A_20 : i32
    %run_scoped3A_22 = arith.constant 3 : i32
    "tpu.region"() ({
      %run_scoped3A_188 = tpu.sem_alloc : memref<!tpu.dma_semaphore, #tpu.memory_space<semaphore_mem>>
      %dma_start3A_189 = arith.constant 0 : i32
      %dma_start3A_190 = tpu.memref_slice %arg7[%run_scoped3A_22, %dma_start3A_189] : memref<4x128xi32, #tpu.memory_space<vmem>> -> memref<1x128xi32, #tpu.memory_space<vmem>>
      %dma_start3A_191 = tpu.memref_squeeze %dma_start3A_190 : memref<1x128xi32, #tpu.memory_space<vmem>> -> memref<128xi32, #tpu.memory_space<vmem>>
      %dma_start3A_192 = tpu.memref_slice %arg2[%add3A_21] : memref<16384xi32, #tpu.memory_space<hbm>> -> memref<128xi32, #tpu.memory_space<hbm>>
      %dma_start3A_193 = arith.constant 0 : i32
      %dma_start3A_194 = tpu.memref_slice %arg7[%run_scoped3A_22, %dma_start3A_193] : memref<4x128xi32, #tpu.memory_space<vmem>> -> memref<1x128xi32, #tpu.memory_space<vmem>>
      %dma_start3A_195 = tpu.memref_squeeze %dma_start3A_194 : memref<1x128xi32, #tpu.memory_space<vmem>> -> memref<128xi32, #tpu.memory_space<vmem>>
      %dma_start3A_196 = tpu.memref_slice %arg2[%add3A_21] : memref<16384xi32, #tpu.memory_space<hbm>> -> memref<128xi32, #tpu.memory_space<hbm>>
      tpu.enqueue_dma source(%dma_start3A_196 : memref<128xi32, #tpu.memory_space<hbm>>) target(%dma_start3A_195 : memref<128xi32, #tpu.memory_space<vmem>>) target_semaphore(%run_scoped3A_188 : memref<!tpu.dma_semaphore, #tpu.memory_space<semaphore_mem>>)
      %dma_wait3A_197 = arith.constant 0 : i32
      %dma_wait3A_198 = tpu.memref_slice %arg7[%run_scoped3A_22, %dma_wait3A_197] : memref<4x128xi32, #tpu.memory_space<vmem>> -> memref<1x128xi32, #tpu.memory_space<vmem>>
      %dma_wait3A_199 = tpu.memref_squeeze %dma_wait3A_198 : memref<1x128xi32, #tpu.memory_space<vmem>> -> memref<128xi32, #tpu.memory_space<vmem>>
      %dma_wait3A_200 = tpu.memref_slice %arg2[%add3A_21] : memref<16384xi32, #tpu.memory_space<hbm>> -> memref<128xi32, #tpu.memory_space<hbm>>
      %dma_wait3A_201 = arith.constant 0 : i32
      %dma_wait3A_202 = tpu.memref_slice %arg7[%run_scoped3A_22, %dma_wait3A_201] : memref<4x128xi32, #tpu.memory_space<vmem>> -> memref<1x128xi32, #tpu.memory_space<vmem>>
      %dma_wait3A_203 = tpu.memref_squeeze %dma_wait3A_202 : memref<1x128xi32, #tpu.memory_space<vmem>> -> memref<128xi32, #tpu.memory_space<vmem>>
      %dma_wait3A_204 = tpu.memref_slice %arg2[%add3A_21] : memref<16384xi32, #tpu.memory_space<hbm>> -> memref<128xi32, #tpu.memory_space<hbm>>
      tpu.wait_dma2 semaphore(%run_scoped3A_188 : memref<!tpu.dma_semaphore, #tpu.memory_space<semaphore_mem>>) src(%dma_wait3A_204 : memref<128xi32, #tpu.memory_space<hbm>>) dst(%dma_wait3A_203 : memref<128xi32, #tpu.memory_space<vmem>>)
      tpu.yield
    }) : () -> ()
    %add3A_23 = arith.constant 384 : i32
    %add3A_24 = arith.addi %mul3A_2, %add3A_23 : i32
    %run_scoped3A_25 = arith.constant 3 : i32
    "tpu.region"() ({
      %run_scoped3A_188 = tpu.sem_alloc : memref<!tpu.dma_semaphore, #tpu.memory_space<semaphore_mem>>
      %dma_start3A_189 = arith.constant 0 : i32
      %dma_start3A_190 = tpu.memref_slice %arg8[%run_scoped3A_25, %dma_start3A_189] : memref<4x128xi32, #tpu.memory_space<vmem>> -> memref<1x128xi32, #tpu.memory_space<vmem>>
      %dma_start3A_191 = tpu.memref_squeeze %dma_start3A_190 : memref<1x128xi32, #tpu.memory_space<vmem>> -> memref<128xi32, #tpu.memory_space<vmem>>
      %dma_start3A_192 = tpu.memref_slice %arg3[%add3A_24] : memref<16384xi32, #tpu.memory_space<hbm>> -> memref<128xi32, #tpu.memory_space<hbm>>
      %dma_start3A_193 = arith.constant 0 : i32
      %dma_start3A_194 = tpu.memref_slice %arg8[%run_scoped3A_25, %dma_start3A_193] : memref<4x128xi32, #tpu.memory_space<vmem>> -> memref<1x128xi32, #tpu.memory_space<vmem>>
      %dma_start3A_195 = tpu.memref_squeeze %dma_start3A_194 : memref<1x128xi32, #tpu.memory_space<vmem>> -> memref<128xi32, #tpu.memory_space<vmem>>
      %dma_start3A_196 = tpu.memref_slice %arg3[%add3A_24] : memref<16384xi32, #tpu.memory_space<hbm>> -> memref<128xi32, #tpu.memory_space<hbm>>
      tpu.enqueue_dma source(%dma_start3A_196 : memref<128xi32, #tpu.memory_space<hbm>>) target(%dma_start3A_195 : memref<128xi32, #tpu.memory_space<vmem>>) target_semaphore(%run_scoped3A_188 : memref<!tpu.dma_semaphore, #tpu.memory_space<semaphore_mem>>)
      %dma_wait3A_197 = arith.constant 0 : i32
      %dma_wait3A_198 = tpu.memref_slice %arg8[%run_scoped3A_25, %dma_wait3A_197] : memref<4x128xi32, #tpu.memory_space<vmem>> -> memref<1x128xi32, #tpu.memory_space<vmem>>
      %dma_wait3A_199 = tpu.memref_squeeze %dma_wait3A_198 : memref<1x128xi32, #tpu.memory_space<vmem>> -> memref<128xi32, #tpu.memory_space<vmem>>
      %dma_wait3A_200 = tpu.memref_slice %arg3[%add3A_24] : memref<16384xi32, #tpu.memory_space<hbm>> -> memref<128xi32, #tpu.memory_space<hbm>>
      %dma_wait3A_201 = arith.constant 0 : i32
      %dma_wait3A_202 = tpu.memref_slice %arg8[%run_scoped3A_25, %dma_wait3A_201] : memref<4x128xi32, #tpu.memory_space<vmem>> -> memref<1x128xi32, #tpu.memory_space<vmem>>
      %dma_wait3A_203 = tpu.memref_squeeze %dma_wait3A_202 : memref<1x128xi32, #tpu.memory_space<vmem>> -> memref<128xi32, #tpu.memory_space<vmem>>
      %dma_wait3A_204 = tpu.memref_slice %arg3[%add3A_24] : memref<16384xi32, #tpu.memory_space<hbm>> -> memref<128xi32, #tpu.memory_space<hbm>>
      tpu.wait_dma2 semaphore(%run_scoped3A_188 : memref<!tpu.dma_semaphore, #tpu.memory_space<semaphore_mem>>) src(%dma_wait3A_204 : memref<128xi32, #tpu.memory_space<hbm>>) dst(%dma_wait3A_203 : memref<128xi32, #tpu.memory_space<vmem>>)
      tpu.yield
    }) : () -> ()
    %dma_start3A = arith.constant 0 : i32
    %dma_start3A_26 = arith.constant 0 : i32
    %dma_start3A_27 = arith.constant 0 : i32
    %dma_start3A_28 = tpu.memref_slice %arg9[%dma_start3A_26, %dma_start3A_27] : memref<512x32xf32, #tpu.memory_space<vmem>> -> memref<128x32xf32, #tpu.memory_space<vmem>>
    %dma_start3A_29 = arith.constant 0 : i32
    %dma_start3A_30 = tpu.memref_slice %arg7[%dma_start3A, %dma_start3A_29] : memref<4x128xi32, #tpu.memory_space<vmem>> -> memref<1x128xi32, #tpu.memory_space<vmem>>
    %dma_start3A_31 = tpu.memref_squeeze %dma_start3A_30 : memref<1x128xi32, #tpu.memory_space<vmem>> -> memref<128xi32, #tpu.memory_space<vmem>>
    %dma_start3A_32 = arith.constant 0 : i32
    %dma_start3A_33 = arith.constant 0 : i32
    %dma_start3A_34 = tpu.memref_slice %arg4[%dma_start3A_32, %dma_start3A_33] : memref<100000x32xf32, #tpu.memory_space<hbm>> -> memref<100000x32xf32, #tpu.memory_space<hbm>>
    tpu.enqueue_indirect_dma source(%dma_start3A_34 : memref<100000x32xf32, #tpu.memory_space<hbm>>) target(%dma_start3A_28 : memref<128x32xf32, #tpu.memory_space<vmem>>) offsets(%dma_start3A_31 : memref<128xi32, #tpu.memory_space<vmem>>) semaphore(%arg12 : memref<!tpu.dma_semaphore, #tpu.memory_space<semaphore_mem>>)
    %dma_start3A_35 = arith.constant 0 : i32
    %dma_start3A_36 = arith.constant 0 : i32
    %dma_start3A_37 = arith.constant 0 : i32
    %dma_start3A_38 = tpu.memref_slice %arg10[%dma_start3A_36, %dma_start3A_37] : memref<512x32xf32, #tpu.memory_space<vmem>> -> memref<128x32xf32, #tpu.memory_space<vmem>>
    %dma_start3A_39 = arith.constant 0 : i32
    %dma_start3A_40 = tpu.memref_slice %arg8[%dma_start3A_35, %dma_start3A_39] : memref<4x128xi32, #tpu.memory_space<vmem>> -> memref<1x128xi32, #tpu.memory_space<vmem>>
    %dma_start3A_41 = tpu.memref_squeeze %dma_start3A_40 : memref<1x128xi32, #tpu.memory_space<vmem>> -> memref<128xi32, #tpu.memory_space<vmem>>
    %dma_start3A_42 = arith.constant 0 : i32
    %dma_start3A_43 = arith.constant 0 : i32
    %dma_start3A_44 = tpu.memref_slice %arg5[%dma_start3A_42, %dma_start3A_43] : memref<1000000x32xf32, #tpu.memory_space<hbm>> -> memref<1000000x32xf32, #tpu.memory_space<hbm>>
    tpu.enqueue_indirect_dma source(%dma_start3A_44 : memref<1000000x32xf32, #tpu.memory_space<hbm>>) target(%dma_start3A_38 : memref<128x32xf32, #tpu.memory_space<vmem>>) offsets(%dma_start3A_41 : memref<128xi32, #tpu.memory_space<vmem>>) semaphore(%arg12 : memref<!tpu.dma_semaphore, #tpu.memory_space<semaphore_mem>>)
    %dma_start3A_45 = arith.constant 1 : i32
    %dma_start3A_46 = arith.constant 128 : i32
    %dma_start3A_47 = arith.constant 0 : i32
    %dma_start3A_48 = tpu.memref_slice %arg9[%dma_start3A_46, %dma_start3A_47] : memref<512x32xf32, #tpu.memory_space<vmem>> -> memref<128x32xf32, #tpu.memory_space<vmem>>
    %dma_start3A_49 = arith.constant 0 : i32
    %dma_start3A_50 = tpu.memref_slice %arg7[%dma_start3A_45, %dma_start3A_49] : memref<4x128xi32, #tpu.memory_space<vmem>> -> memref<1x128xi32, #tpu.memory_space<vmem>>
    %dma_start3A_51 = tpu.memref_squeeze %dma_start3A_50 : memref<1x128xi32, #tpu.memory_space<vmem>> -> memref<128xi32, #tpu.memory_space<vmem>>
    %dma_start3A_52 = arith.constant 0 : i32
    %dma_start3A_53 = arith.constant 0 : i32
    %dma_start3A_54 = tpu.memref_slice %arg4[%dma_start3A_52, %dma_start3A_53] : memref<100000x32xf32, #tpu.memory_space<hbm>> -> memref<100000x32xf32, #tpu.memory_space<hbm>>
    tpu.enqueue_indirect_dma source(%dma_start3A_54 : memref<100000x32xf32, #tpu.memory_space<hbm>>) target(%dma_start3A_48 : memref<128x32xf32, #tpu.memory_space<vmem>>) offsets(%dma_start3A_51 : memref<128xi32, #tpu.memory_space<vmem>>) semaphore(%arg12 : memref<!tpu.dma_semaphore, #tpu.memory_space<semaphore_mem>>)
    %dma_start3A_55 = arith.constant 1 : i32
    %dma_start3A_56 = arith.constant 128 : i32
    %dma_start3A_57 = arith.constant 0 : i32
    %dma_start3A_58 = tpu.memref_slice %arg10[%dma_start3A_56, %dma_start3A_57] : memref<512x32xf32, #tpu.memory_space<vmem>> -> memref<128x32xf32, #tpu.memory_space<vmem>>
    %dma_start3A_59 = arith.constant 0 : i32
    %dma_start3A_60 = tpu.memref_slice %arg8[%dma_start3A_55, %dma_start3A_59] : memref<4x128xi32, #tpu.memory_space<vmem>> -> memref<1x128xi32, #tpu.memory_space<vmem>>
    %dma_start3A_61 = tpu.memref_squeeze %dma_start3A_60 : memref<1x128xi32, #tpu.memory_space<vmem>> -> memref<128xi32, #tpu.memory_space<vmem>>
    %dma_start3A_62 = arith.constant 0 : i32
    %dma_start3A_63 = arith.constant 0 : i32
    %dma_start3A_64 = tpu.memref_slice %arg5[%dma_start3A_62, %dma_start3A_63] : memref<1000000x32xf32, #tpu.memory_space<hbm>> -> memref<1000000x32xf32, #tpu.memory_space<hbm>>
    tpu.enqueue_indirect_dma source(%dma_start3A_64 : memref<1000000x32xf32, #tpu.memory_space<hbm>>) target(%dma_start3A_58 : memref<128x32xf32, #tpu.memory_space<vmem>>) offsets(%dma_start3A_61 : memref<128xi32, #tpu.memory_space<vmem>>) semaphore(%arg12 : memref<!tpu.dma_semaphore, #tpu.memory_space<semaphore_mem>>)
    %dma_start3A_65 = arith.constant 2 : i32
    %dma_start3A_66 = arith.constant 256 : i32
    %dma_start3A_67 = arith.constant 0 : i32
    %dma_start3A_68 = tpu.memref_slice %arg9[%dma_start3A_66, %dma_start3A_67] : memref<512x32xf32, #tpu.memory_space<vmem>> -> memref<128x32xf32, #tpu.memory_space<vmem>>
    %dma_start3A_69 = arith.constant 0 : i32
    %dma_start3A_70 = tpu.memref_slice %arg7[%dma_start3A_65, %dma_start3A_69] : memref<4x128xi32, #tpu.memory_space<vmem>> -> memref<1x128xi32, #tpu.memory_space<vmem>>
    %dma_start3A_71 = tpu.memref_squeeze %dma_start3A_70 : memref<1x128xi32, #tpu.memory_space<vmem>> -> memref<128xi32, #tpu.memory_space<vmem>>
    %dma_start3A_72 = arith.constant 0 : i32
    %dma_start3A_73 = arith.constant 0 : i32
    %dma_start3A_74 = tpu.memref_slice %arg4[%dma_start3A_72, %dma_start3A_73] : memref<100000x32xf32, #tpu.memory_space<hbm>> -> memref<100000x32xf32, #tpu.memory_space<hbm>>
    tpu.enqueue_indirect_dma source(%dma_start3A_74 : memref<100000x32xf32, #tpu.memory_space<hbm>>) target(%dma_start3A_68 : memref<128x32xf32, #tpu.memory_space<vmem>>) offsets(%dma_start3A_71 : memref<128xi32, #tpu.memory_space<vmem>>) semaphore(%arg12 : memref<!tpu.dma_semaphore, #tpu.memory_space<semaphore_mem>>)
    %dma_start3A_75 = arith.constant 2 : i32
    %dma_start3A_76 = arith.constant 256 : i32
    %dma_start3A_77 = arith.constant 0 : i32
    %dma_start3A_78 = tpu.memref_slice %arg10[%dma_start3A_76, %dma_start3A_77] : memref<512x32xf32, #tpu.memory_space<vmem>> -> memref<128x32xf32, #tpu.memory_space<vmem>>
    %dma_start3A_79 = arith.constant 0 : i32
    %dma_start3A_80 = tpu.memref_slice %arg8[%dma_start3A_75, %dma_start3A_79] : memref<4x128xi32, #tpu.memory_space<vmem>> -> memref<1x128xi32, #tpu.memory_space<vmem>>
    %dma_start3A_81 = tpu.memref_squeeze %dma_start3A_80 : memref<1x128xi32, #tpu.memory_space<vmem>> -> memref<128xi32, #tpu.memory_space<vmem>>
    %dma_start3A_82 = arith.constant 0 : i32
    %dma_start3A_83 = arith.constant 0 : i32
    %dma_start3A_84 = tpu.memref_slice %arg5[%dma_start3A_82, %dma_start3A_83] : memref<1000000x32xf32, #tpu.memory_space<hbm>> -> memref<1000000x32xf32, #tpu.memory_space<hbm>>
    tpu.enqueue_indirect_dma source(%dma_start3A_84 : memref<1000000x32xf32, #tpu.memory_space<hbm>>) target(%dma_start3A_78 : memref<128x32xf32, #tpu.memory_space<vmem>>) offsets(%dma_start3A_81 : memref<128xi32, #tpu.memory_space<vmem>>) semaphore(%arg12 : memref<!tpu.dma_semaphore, #tpu.memory_space<semaphore_mem>>)
    %dma_start3A_85 = arith.constant 3 : i32
    %dma_start3A_86 = arith.constant 384 : i32
    %dma_start3A_87 = arith.constant 0 : i32
    %dma_start3A_88 = tpu.memref_slice %arg9[%dma_start3A_86, %dma_start3A_87] : memref<512x32xf32, #tpu.memory_space<vmem>> -> memref<128x32xf32, #tpu.memory_space<vmem>>
    %dma_start3A_89 = arith.constant 0 : i32
    %dma_start3A_90 = tpu.memref_slice %arg7[%dma_start3A_85, %dma_start3A_89] : memref<4x128xi32, #tpu.memory_space<vmem>> -> memref<1x128xi32, #tpu.memory_space<vmem>>
    %dma_start3A_91 = tpu.memref_squeeze %dma_start3A_90 : memref<1x128xi32, #tpu.memory_space<vmem>> -> memref<128xi32, #tpu.memory_space<vmem>>
    %dma_start3A_92 = arith.constant 0 : i32
    %dma_start3A_93 = arith.constant 0 : i32
    %dma_start3A_94 = tpu.memref_slice %arg4[%dma_start3A_92, %dma_start3A_93] : memref<100000x32xf32, #tpu.memory_space<hbm>> -> memref<100000x32xf32, #tpu.memory_space<hbm>>
    tpu.enqueue_indirect_dma source(%dma_start3A_94 : memref<100000x32xf32, #tpu.memory_space<hbm>>) target(%dma_start3A_88 : memref<128x32xf32, #tpu.memory_space<vmem>>) offsets(%dma_start3A_91 : memref<128xi32, #tpu.memory_space<vmem>>) semaphore(%arg12 : memref<!tpu.dma_semaphore, #tpu.memory_space<semaphore_mem>>)
    %dma_start3A_95 = arith.constant 3 : i32
    %dma_start3A_96 = arith.constant 384 : i32
    %dma_start3A_97 = arith.constant 0 : i32
    %dma_start3A_98 = tpu.memref_slice %arg10[%dma_start3A_96, %dma_start3A_97] : memref<512x32xf32, #tpu.memory_space<vmem>> -> memref<128x32xf32, #tpu.memory_space<vmem>>
    %dma_start3A_99 = arith.constant 0 : i32
    %dma_start3A_100 = tpu.memref_slice %arg8[%dma_start3A_95, %dma_start3A_99] : memref<4x128xi32, #tpu.memory_space<vmem>> -> memref<1x128xi32, #tpu.memory_space<vmem>>
    %dma_start3A_101 = tpu.memref_squeeze %dma_start3A_100 : memref<1x128xi32, #tpu.memory_space<vmem>> -> memref<128xi32, #tpu.memory_space<vmem>>
    %dma_start3A_102 = arith.constant 0 : i32
    %dma_start3A_103 = arith.constant 0 : i32
    %dma_start3A_104 = tpu.memref_slice %arg5[%dma_start3A_102, %dma_start3A_103] : memref<1000000x32xf32, #tpu.memory_space<hbm>> -> memref<1000000x32xf32, #tpu.memory_space<hbm>>
    tpu.enqueue_indirect_dma source(%dma_start3A_104 : memref<1000000x32xf32, #tpu.memory_space<hbm>>) target(%dma_start3A_98 : memref<128x32xf32, #tpu.memory_space<vmem>>) offsets(%dma_start3A_101 : memref<128xi32, #tpu.memory_space<vmem>>) semaphore(%arg12 : memref<!tpu.dma_semaphore, #tpu.memory_space<semaphore_mem>>)
    %dma_wait3A = arith.constant 0 : i32
    %dma_wait3A_105 = arith.constant 0 : i32
    %dma_wait3A_106 = arith.constant 0 : i32
    %dma_wait3A_107 = tpu.memref_slice %arg9[%dma_wait3A_105, %dma_wait3A_106] : memref<512x32xf32, #tpu.memory_space<vmem>> -> memref<128x32xf32, #tpu.memory_space<vmem>>
    %dma_wait3A_108 = arith.constant 0 : i32
    %dma_wait3A_109 = tpu.memref_slice %arg7[%dma_wait3A, %dma_wait3A_108] : memref<4x128xi32, #tpu.memory_space<vmem>> -> memref<1x128xi32, #tpu.memory_space<vmem>>
    %dma_wait3A_110 = tpu.memref_squeeze %dma_wait3A_109 : memref<1x128xi32, #tpu.memory_space<vmem>> -> memref<128xi32, #tpu.memory_space<vmem>>
    %dma_wait3A_111 = arith.constant 0 : i32
    %dma_wait3A_112 = arith.constant 0 : i32
    %dma_wait3A_113 = tpu.memref_slice %arg4[%dma_wait3A_111, %dma_wait3A_112] : memref<100000x32xf32, #tpu.memory_space<hbm>> -> memref<100000x32xf32, #tpu.memory_space<hbm>>
    tpu.wait_indirect_dma semaphore(%arg12 : memref<!tpu.dma_semaphore, #tpu.memory_space<semaphore_mem>>) src(%dma_wait3A_113 : memref<100000x32xf32, #tpu.memory_space<hbm>>) dst(%dma_wait3A_107 : memref<128x32xf32, #tpu.memory_space<vmem>>)
    %dma_wait3A_114 = arith.constant 0 : i32
    %dma_wait3A_115 = arith.constant 0 : i32
    %dma_wait3A_116 = arith.constant 0 : i32
    %dma_wait3A_117 = tpu.memref_slice %arg10[%dma_wait3A_115, %dma_wait3A_116] : memref<512x32xf32, #tpu.memory_space<vmem>> -> memref<128x32xf32, #tpu.memory_space<vmem>>
    %dma_wait3A_118 = arith.constant 0 : i32
    %dma_wait3A_119 = tpu.memref_slice %arg8[%dma_wait3A_114, %dma_wait3A_118] : memref<4x128xi32, #tpu.memory_space<vmem>> -> memref<1x128xi32, #tpu.memory_space<vmem>>
    %dma_wait3A_120 = tpu.memref_squeeze %dma_wait3A_119 : memref<1x128xi32, #tpu.memory_space<vmem>> -> memref<128xi32, #tpu.memory_space<vmem>>
    %dma_wait3A_121 = arith.constant 0 : i32
    %dma_wait3A_122 = arith.constant 0 : i32
    %dma_wait3A_123 = tpu.memref_slice %arg5[%dma_wait3A_121, %dma_wait3A_122] : memref<1000000x32xf32, #tpu.memory_space<hbm>> -> memref<1000000x32xf32, #tpu.memory_space<hbm>>
    tpu.wait_indirect_dma semaphore(%arg12 : memref<!tpu.dma_semaphore, #tpu.memory_space<semaphore_mem>>) src(%dma_wait3A_123 : memref<1000000x32xf32, #tpu.memory_space<hbm>>) dst(%dma_wait3A_117 : memref<128x32xf32, #tpu.memory_space<vmem>>)
    %dma_wait3A_124 = arith.constant 1 : i32
    %dma_wait3A_125 = arith.constant 128 : i32
    %dma_wait3A_126 = arith.constant 0 : i32
    %dma_wait3A_127 = tpu.memref_slice %arg9[%dma_wait3A_125, %dma_wait3A_126] : memref<512x32xf32, #tpu.memory_space<vmem>> -> memref<128x32xf32, #tpu.memory_space<vmem>>
    %dma_wait3A_128 = arith.constant 0 : i32
    %dma_wait3A_129 = tpu.memref_slice %arg7[%dma_wait3A_124, %dma_wait3A_128] : memref<4x128xi32, #tpu.memory_space<vmem>> -> memref<1x128xi32, #tpu.memory_space<vmem>>
    %dma_wait3A_130 = tpu.memref_squeeze %dma_wait3A_129 : memref<1x128xi32, #tpu.memory_space<vmem>> -> memref<128xi32, #tpu.memory_space<vmem>>
    %dma_wait3A_131 = arith.constant 0 : i32
    %dma_wait3A_132 = arith.constant 0 : i32
    %dma_wait3A_133 = tpu.memref_slice %arg4[%dma_wait3A_131, %dma_wait3A_132] : memref<100000x32xf32, #tpu.memory_space<hbm>> -> memref<100000x32xf32, #tpu.memory_space<hbm>>
    tpu.wait_indirect_dma semaphore(%arg12 : memref<!tpu.dma_semaphore, #tpu.memory_space<semaphore_mem>>) src(%dma_wait3A_133 : memref<100000x32xf32, #tpu.memory_space<hbm>>) dst(%dma_wait3A_127 : memref<128x32xf32, #tpu.memory_space<vmem>>)
    %dma_wait3A_134 = arith.constant 1 : i32
    %dma_wait3A_135 = arith.constant 128 : i32
    %dma_wait3A_136 = arith.constant 0 : i32
    %dma_wait3A_137 = tpu.memref_slice %arg10[%dma_wait3A_135, %dma_wait3A_136] : memref<512x32xf32, #tpu.memory_space<vmem>> -> memref<128x32xf32, #tpu.memory_space<vmem>>
    %dma_wait3A_138 = arith.constant 0 : i32
    %dma_wait3A_139 = tpu.memref_slice %arg8[%dma_wait3A_134, %dma_wait3A_138] : memref<4x128xi32, #tpu.memory_space<vmem>> -> memref<1x128xi32, #tpu.memory_space<vmem>>
    %dma_wait3A_140 = tpu.memref_squeeze %dma_wait3A_139 : memref<1x128xi32, #tpu.memory_space<vmem>> -> memref<128xi32, #tpu.memory_space<vmem>>
    %dma_wait3A_141 = arith.constant 0 : i32
    %dma_wait3A_142 = arith.constant 0 : i32
    %dma_wait3A_143 = tpu.memref_slice %arg5[%dma_wait3A_141, %dma_wait3A_142] : memref<1000000x32xf32, #tpu.memory_space<hbm>> -> memref<1000000x32xf32, #tpu.memory_space<hbm>>
    tpu.wait_indirect_dma semaphore(%arg12 : memref<!tpu.dma_semaphore, #tpu.memory_space<semaphore_mem>>) src(%dma_wait3A_143 : memref<1000000x32xf32, #tpu.memory_space<hbm>>) dst(%dma_wait3A_137 : memref<128x32xf32, #tpu.memory_space<vmem>>)
    %dma_wait3A_144 = arith.constant 2 : i32
    %dma_wait3A_145 = arith.constant 256 : i32
    %dma_wait3A_146 = arith.constant 0 : i32
    %dma_wait3A_147 = tpu.memref_slice %arg9[%dma_wait3A_145, %dma_wait3A_146] : memref<512x32xf32, #tpu.memory_space<vmem>> -> memref<128x32xf32, #tpu.memory_space<vmem>>
    %dma_wait3A_148 = arith.constant 0 : i32
    %dma_wait3A_149 = tpu.memref_slice %arg7[%dma_wait3A_144, %dma_wait3A_148] : memref<4x128xi32, #tpu.memory_space<vmem>> -> memref<1x128xi32, #tpu.memory_space<vmem>>
    %dma_wait3A_150 = tpu.memref_squeeze %dma_wait3A_149 : memref<1x128xi32, #tpu.memory_space<vmem>> -> memref<128xi32, #tpu.memory_space<vmem>>
    %dma_wait3A_151 = arith.constant 0 : i32
    %dma_wait3A_152 = arith.constant 0 : i32
    %dma_wait3A_153 = tpu.memref_slice %arg4[%dma_wait3A_151, %dma_wait3A_152] : memref<100000x32xf32, #tpu.memory_space<hbm>> -> memref<100000x32xf32, #tpu.memory_space<hbm>>
    tpu.wait_indirect_dma semaphore(%arg12 : memref<!tpu.dma_semaphore, #tpu.memory_space<semaphore_mem>>) src(%dma_wait3A_153 : memref<100000x32xf32, #tpu.memory_space<hbm>>) dst(%dma_wait3A_147 : memref<128x32xf32, #tpu.memory_space<vmem>>)
    %dma_wait3A_154 = arith.constant 2 : i32
    %dma_wait3A_155 = arith.constant 256 : i32
    %dma_wait3A_156 = arith.constant 0 : i32
    %dma_wait3A_157 = tpu.memref_slice %arg10[%dma_wait3A_155, %dma_wait3A_156] : memref<512x32xf32, #tpu.memory_space<vmem>> -> memref<128x32xf32, #tpu.memory_space<vmem>>
    %dma_wait3A_158 = arith.constant 0 : i32
    %dma_wait3A_159 = tpu.memref_slice %arg8[%dma_wait3A_154, %dma_wait3A_158] : memref<4x128xi32, #tpu.memory_space<vmem>> -> memref<1x128xi32, #tpu.memory_space<vmem>>
    %dma_wait3A_160 = tpu.memref_squeeze %dma_wait3A_159 : memref<1x128xi32, #tpu.memory_space<vmem>> -> memref<128xi32, #tpu.memory_space<vmem>>
    %dma_wait3A_161 = arith.constant 0 : i32
    %dma_wait3A_162 = arith.constant 0 : i32
    %dma_wait3A_163 = tpu.memref_slice %arg5[%dma_wait3A_161, %dma_wait3A_162] : memref<1000000x32xf32, #tpu.memory_space<hbm>> -> memref<1000000x32xf32, #tpu.memory_space<hbm>>
    tpu.wait_indirect_dma semaphore(%arg12 : memref<!tpu.dma_semaphore, #tpu.memory_space<semaphore_mem>>) src(%dma_wait3A_163 : memref<1000000x32xf32, #tpu.memory_space<hbm>>) dst(%dma_wait3A_157 : memref<128x32xf32, #tpu.memory_space<vmem>>)
    %dma_wait3A_164 = arith.constant 3 : i32
    %dma_wait3A_165 = arith.constant 384 : i32
    %dma_wait3A_166 = arith.constant 0 : i32
    %dma_wait3A_167 = tpu.memref_slice %arg9[%dma_wait3A_165, %dma_wait3A_166] : memref<512x32xf32, #tpu.memory_space<vmem>> -> memref<128x32xf32, #tpu.memory_space<vmem>>
    %dma_wait3A_168 = arith.constant 0 : i32
    %dma_wait3A_169 = tpu.memref_slice %arg7[%dma_wait3A_164, %dma_wait3A_168] : memref<4x128xi32, #tpu.memory_space<vmem>> -> memref<1x128xi32, #tpu.memory_space<vmem>>
    %dma_wait3A_170 = tpu.memref_squeeze %dma_wait3A_169 : memref<1x128xi32, #tpu.memory_space<vmem>> -> memref<128xi32, #tpu.memory_space<vmem>>
    %dma_wait3A_171 = arith.constant 0 : i32
    %dma_wait3A_172 = arith.constant 0 : i32
    %dma_wait3A_173 = tpu.memref_slice %arg4[%dma_wait3A_171, %dma_wait3A_172] : memref<100000x32xf32, #tpu.memory_space<hbm>> -> memref<100000x32xf32, #tpu.memory_space<hbm>>
    tpu.wait_indirect_dma semaphore(%arg12 : memref<!tpu.dma_semaphore, #tpu.memory_space<semaphore_mem>>) src(%dma_wait3A_173 : memref<100000x32xf32, #tpu.memory_space<hbm>>) dst(%dma_wait3A_167 : memref<128x32xf32, #tpu.memory_space<vmem>>)
    %dma_wait3A_174 = arith.constant 3 : i32
    %dma_wait3A_175 = arith.constant 384 : i32
    %dma_wait3A_176 = arith.constant 0 : i32
    %dma_wait3A_177 = tpu.memref_slice %arg10[%dma_wait3A_175, %dma_wait3A_176] : memref<512x32xf32, #tpu.memory_space<vmem>> -> memref<128x32xf32, #tpu.memory_space<vmem>>
    %dma_wait3A_178 = arith.constant 0 : i32
    %dma_wait3A_179 = tpu.memref_slice %arg8[%dma_wait3A_174, %dma_wait3A_178] : memref<4x128xi32, #tpu.memory_space<vmem>> -> memref<1x128xi32, #tpu.memory_space<vmem>>
    %dma_wait3A_180 = tpu.memref_squeeze %dma_wait3A_179 : memref<1x128xi32, #tpu.memory_space<vmem>> -> memref<128xi32, #tpu.memory_space<vmem>>
    %dma_wait3A_181 = arith.constant 0 : i32
    %dma_wait3A_182 = arith.constant 0 : i32
    %dma_wait3A_183 = tpu.memref_slice %arg5[%dma_wait3A_181, %dma_wait3A_182] : memref<1000000x32xf32, #tpu.memory_space<hbm>> -> memref<1000000x32xf32, #tpu.memory_space<hbm>>
    tpu.wait_indirect_dma semaphore(%arg12 : memref<!tpu.dma_semaphore, #tpu.memory_space<semaphore_mem>>) src(%dma_wait3A_183 : memref<1000000x32xf32, #tpu.memory_space<hbm>>) dst(%dma_wait3A_177 : memref<128x32xf32, #tpu.memory_space<vmem>>)
    %iota3A = tpu.iota {dimensions = array<i32: 0>} : vector<16xi32>
    %scan3A = arith.constant 0 : i32
    %scan3A_184 = arith.constant 32 : i32
    %scan3A_185 = arith.addi %scan3A, %scan3A_184 : i32
    %scan3A_186 = arith.constant 1 : i32
    scf.for %scan3A_188 = %scan3A to %scan3A_185 step %scan3A_186  : i32 {
      %mul3A_189 = arith.constant 16 : i32
      %mul3A_190 = arith.muli %scan3A_188, %mul3A_189 : i32
      %add3A_191 = vector.broadcast %mul3A_190 : i32 to vector<16xi32>
      %add3A_192 = arith.addi %add3A_191, %iota3A : vector<16xi32>
      %broadcast_in_dim3A = arith.constant 0.000000e+00 : f32
      %broadcast_in_dim3A_193 = vector.broadcast %broadcast_in_dim3A : f32 to vector<16xf32>
      %broadcast_in_dim3A_194 = arith.constant 0 : i32
      %broadcast_in_dim3A_195 = vector.broadcast %broadcast_in_dim3A_194 : i32 to vector<16xi32>
      %gather3A = tpu.vector_load_idx %arg9[%add3A_192, %broadcast_in_dim3A_195] : memref<512x32xf32, #tpu.memory_space<vmem>>[vector<16xi32>, vector<16xi32>], vector<16xf32>,
      %gather3A_196 = tpu.vector_load_idx %arg10[%add3A_192, %broadcast_in_dim3A_195] : memref<512x32xf32, #tpu.memory_space<vmem>>[vector<16xi32>, vector<16xi32>], vector<16xf32>,
      %mul3A_197 = arith.mulf %gather3A, %gather3A_196 : vector<16xf32>
      %add3A_198 = arith.addf %broadcast_in_dim3A_193, %mul3A_197 : vector<16xf32>
      %broadcast_in_dim3A_199 = arith.constant 1 : i32
      %broadcast_in_dim3A_200 = vector.broadcast %broadcast_in_dim3A_199 : i32 to vector<16xi32>
      %gather3A_201 = tpu.vector_load_idx %arg9[%add3A_192, %broadcast_in_dim3A_200] : memref<512x32xf32, #tpu.memory_space<vmem>>[vector<16xi32>, vector<16xi32>], vector<16xf32>,
      %gather3A_202 = tpu.vector_load_idx %arg10[%add3A_192, %broadcast_in_dim3A_200] : memref<512x32xf32, #tpu.memory_space<vmem>>[vector<16xi32>, vector<16xi32>], vector<16xf32>,
      %mul3A_203 = arith.mulf %gather3A_201, %gather3A_202 : vector<16xf32>
      %add3A_204 = arith.addf %add3A_198, %mul3A_203 : vector<16xf32>
      %broadcast_in_dim3A_205 = arith.constant 2 : i32
      %broadcast_in_dim3A_206 = vector.broadcast %broadcast_in_dim3A_205 : i32 to vector<16xi32>
      %gather3A_207 = tpu.vector_load_idx %arg9[%add3A_192, %broadcast_in_dim3A_206] : memref<512x32xf32, #tpu.memory_space<vmem>>[vector<16xi32>, vector<16xi32>], vector<16xf32>,
      %gather3A_208 = tpu.vector_load_idx %arg10[%add3A_192, %broadcast_in_dim3A_206] : memref<512x32xf32, #tpu.memory_space<vmem>>[vector<16xi32>, vector<16xi32>], vector<16xf32>,
      %mul3A_209 = arith.mulf %gather3A_207, %gather3A_208 : vector<16xf32>
      %add3A_210 = arith.addf %add3A_204, %mul3A_209 : vector<16xf32>
      %broadcast_in_dim3A_211 = arith.constant 3 : i32
      %broadcast_in_dim3A_212 = vector.broadcast %broadcast_in_dim3A_211 : i32 to vector<16xi32>
      %gather3A_213 = tpu.vector_load_idx %arg9[%add3A_192, %broadcast_in_dim3A_212] : memref<512x32xf32, #tpu.memory_space<vmem>>[vector<16xi32>, vector<16xi32>], vector<16xf32>,
      %gather3A_214 = tpu.vector_load_idx %arg10[%add3A_192, %broadcast_in_dim3A_212] : memref<512x32xf32, #tpu.memory_space<vmem>>[vector<16xi32>, vector<16xi32>], vector<16xf32>,
      %mul3A_215 = arith.mulf %gather3A_213, %gather3A_214 : vector<16xf32>
      %add3A_216 = arith.addf %add3A_210, %mul3A_215 : vector<16xf32>
      %broadcast_in_dim3A_217 = arith.constant 4 : i32
      %broadcast_in_dim3A_218 = vector.broadcast %broadcast_in_dim3A_217 : i32 to vector<16xi32>
      %gather3A_219 = tpu.vector_load_idx %arg9[%add3A_192, %broadcast_in_dim3A_218] : memref<512x32xf32, #tpu.memory_space<vmem>>[vector<16xi32>, vector<16xi32>], vector<16xf32>,
      %gather3A_220 = tpu.vector_load_idx %arg10[%add3A_192, %broadcast_in_dim3A_218] : memref<512x32xf32, #tpu.memory_space<vmem>>[vector<16xi32>, vector<16xi32>], vector<16xf32>,
      %mul3A_221 = arith.mulf %gather3A_219, %gather3A_220 : vector<16xf32>
      %add3A_222 = arith.addf %add3A_216, %mul3A_221 : vector<16xf32>
      %broadcast_in_dim3A_223 = arith.constant 5 : i32
      %broadcast_in_dim3A_224 = vector.broadcast %broadcast_in_dim3A_223 : i32 to vector<16xi32>
      %gather3A_225 = tpu.vector_load_idx %arg9[%add3A_192, %broadcast_in_dim3A_224] : memref<512x32xf32, #tpu.memory_space<vmem>>[vector<16xi32>, vector<16xi32>], vector<16xf32>,
      %gather3A_226 = tpu.vector_load_idx %arg10[%add3A_192, %broadcast_in_dim3A_224] : memref<512x32xf32, #tpu.memory_space<vmem>>[vector<16xi32>, vector<16xi32>], vector<16xf32>,
      %mul3A_227 = arith.mulf %gather3A_225, %gather3A_226 : vector<16xf32>
      %add3A_228 = arith.addf %add3A_222, %mul3A_227 : vector<16xf32>
      %broadcast_in_dim3A_229 = arith.constant 6 : i32
      %broadcast_in_dim3A_230 = vector.broadcast %broadcast_in_dim3A_229 : i32 to vector<16xi32>
      %gather3A_231 = tpu.vector_load_idx %arg9[%add3A_192, %broadcast_in_dim3A_230] : memref<512x32xf32, #tpu.memory_space<vmem>>[vector<16xi32>, vector<16xi32>], vector<16xf32>,
      %gather3A_232 = tpu.vector_load_idx %arg10[%add3A_192, %broadcast_in_dim3A_230] : memref<512x32xf32, #tpu.memory_space<vmem>>[vector<16xi32>, vector<16xi32>], vector<16xf32>,
      %mul3A_233 = arith.mulf %gather3A_231, %gather3A_232 : vector<16xf32>
      %add3A_234 = arith.addf %add3A_228, %mul3A_233 : vector<16xf32>
      %broadcast_in_dim3A_235 = arith.constant 7 : i32
      %broadcast_in_dim3A_236 = vector.broadcast %broadcast_in_dim3A_235 : i32 to vector<16xi32>
      %gather3A_237 = tpu.vector_load_idx %arg9[%add3A_192, %broadcast_in_dim3A_236] : memref<512x32xf32, #tpu.memory_space<vmem>>[vector<16xi32>, vector<16xi32>], vector<16xf32>,
      %gather3A_238 = tpu.vector_load_idx %arg10[%add3A_192, %broadcast_in_dim3A_236] : memref<512x32xf32, #tpu.memory_space<vmem>>[vector<16xi32>, vector<16xi32>], vector<16xf32>,
      %mul3A_239 = arith.mulf %gather3A_237, %gather3A_238 : vector<16xf32>
      %add3A_240 = arith.addf %add3A_234, %mul3A_239 : vector<16xf32>
      %broadcast_in_dim3A_241 = arith.constant 8 : i32
      %broadcast_in_dim3A_242 = vector.broadcast %broadcast_in_dim3A_241 : i32 to vector<16xi32>
      %gather3A_243 = tpu.vector_load_idx %arg9[%add3A_192, %broadcast_in_dim3A_242] : memref<512x32xf32, #tpu.memory_space<vmem>>[vector<16xi32>, vector<16xi32>], vector<16xf32>,
      %gather3A_244 = tpu.vector_load_idx %arg10[%add3A_192, %broadcast_in_dim3A_242] : memref<512x32xf32, #tpu.memory_space<vmem>>[vector<16xi32>, vector<16xi32>], vector<16xf32>,
      %mul3A_245 = arith.mulf %gather3A_243, %gather3A_244 : vector<16xf32>
      %add3A_246 = arith.addf %add3A_240, %mul3A_245 : vector<16xf32>
      %broadcast_in_dim3A_247 = arith.constant 9 : i32
      %broadcast_in_dim3A_248 = vector.broadcast %broadcast_in_dim3A_247 : i32 to vector<16xi32>
      %gather3A_249 = tpu.vector_load_idx %arg9[%add3A_192, %broadcast_in_dim3A_248] : memref<512x32xf32, #tpu.memory_space<vmem>>[vector<16xi32>, vector<16xi32>], vector<16xf32>,
      %gather3A_250 = tpu.vector_load_idx %arg10[%add3A_192, %broadcast_in_dim3A_248] : memref<512x32xf32, #tpu.memory_space<vmem>>[vector<16xi32>, vector<16xi32>], vector<16xf32>,
      %mul3A_251 = arith.mulf %gather3A_249, %gather3A_250 : vector<16xf32>
      %add3A_252 = arith.addf %add3A_246, %mul3A_251 : vector<16xf32>
      %broadcast_in_dim3A_253 = arith.constant 10 : i32
      %broadcast_in_dim3A_254 = vector.broadcast %broadcast_in_dim3A_253 : i32 to vector<16xi32>
      %gather3A_255 = tpu.vector_load_idx %arg9[%add3A_192, %broadcast_in_dim3A_254] : memref<512x32xf32, #tpu.memory_space<vmem>>[vector<16xi32>, vector<16xi32>], vector<16xf32>,
      %gather3A_256 = tpu.vector_load_idx %arg10[%add3A_192, %broadcast_in_dim3A_254] : memref<512x32xf32, #tpu.memory_space<vmem>>[vector<16xi32>, vector<16xi32>], vector<16xf32>,
      %mul3A_257 = arith.mulf %gather3A_255, %gather3A_256 : vector<16xf32>
      %add3A_258 = arith.addf %add3A_252, %mul3A_257 : vector<16xf32>
      %broadcast_in_dim3A_259 = arith.constant 11 : i32
      %broadcast_in_dim3A_260 = vector.broadcast %broadcast_in_dim3A_259 : i32 to vector<16xi32>
      %gather3A_261 = tpu.vector_load_idx %arg9[%add3A_192, %broadcast_in_dim3A_260] : memref<512x32xf32, #tpu.memory_space<vmem>>[vector<16xi32>, vector<16xi32>], vector<16xf32>,
      %gather3A_262 = tpu.vector_load_idx %arg10[%add3A_192, %broadcast_in_dim3A_260] : memref<512x32xf32, #tpu.memory_space<vmem>>[vector<16xi32>, vector<16xi32>], vector<16xf32>,
      %mul3A_263 = arith.mulf %gather3A_261, %gather3A_262 : vector<16xf32>
      %add3A_264 = arith.addf %add3A_258, %mul3A_263 : vector<16xf32>
      %broadcast_in_dim3A_265 = arith.constant 12 : i32
      %broadcast_in_dim3A_266 = vector.broadcast %broadcast_in_dim3A_265 : i32 to vector<16xi32>
      %gather3A_267 = tpu.vector_load_idx %arg9[%add3A_192, %broadcast_in_dim3A_266] : memref<512x32xf32, #tpu.memory_space<vmem>>[vector<16xi32>, vector<16xi32>], vector<16xf32>,
      %gather3A_268 = tpu.vector_load_idx %arg10[%add3A_192, %broadcast_in_dim3A_266] : memref<512x32xf32, #tpu.memory_space<vmem>>[vector<16xi32>, vector<16xi32>], vector<16xf32>,
      %mul3A_269 = arith.mulf %gather3A_267, %gather3A_268 : vector<16xf32>
      %add3A_270 = arith.addf %add3A_264, %mul3A_269 : vector<16xf32>
      %broadcast_in_dim3A_271 = arith.constant 13 : i32
      %broadcast_in_dim3A_272 = vector.broadcast %broadcast_in_dim3A_271 : i32 to vector<16xi32>
      %gather3A_273 = tpu.vector_load_idx %arg9[%add3A_192, %broadcast_in_dim3A_272] : memref<512x32xf32, #tpu.memory_space<vmem>>[vector<16xi32>, vector<16xi32>], vector<16xf32>,
      %gather3A_274 = tpu.vector_load_idx %arg10[%add3A_192, %broadcast_in_dim3A_272] : memref<512x32xf32, #tpu.memory_space<vmem>>[vector<16xi32>, vector<16xi32>], vector<16xf32>,
      %mul3A_275 = arith.mulf %gather3A_273, %gather3A_274 : vector<16xf32>
      %add3A_276 = arith.addf %add3A_270, %mul3A_275 : vector<16xf32>
      %broadcast_in_dim3A_277 = arith.constant 14 : i32
      %broadcast_in_dim3A_278 = vector.broadcast %broadcast_in_dim3A_277 : i32 to vector<16xi32>
      %gather3A_279 = tpu.vector_load_idx %arg9[%add3A_192, %broadcast_in_dim3A_278] : memref<512x32xf32, #tpu.memory_space<vmem>>[vector<16xi32>, vector<16xi32>], vector<16xf32>,
      %gather3A_280 = tpu.vector_load_idx %arg10[%add3A_192, %broadcast_in_dim3A_278] : memref<512x32xf32, #tpu.memory_space<vmem>>[vector<16xi32>, vector<16xi32>], vector<16xf32>,
      %mul3A_281 = arith.mulf %gather3A_279, %gather3A_280 : vector<16xf32>
      %add3A_282 = arith.addf %add3A_276, %mul3A_281 : vector<16xf32>
      %broadcast_in_dim3A_283 = arith.constant 15 : i32
      %broadcast_in_dim3A_284 = vector.broadcast %broadcast_in_dim3A_283 : i32 to vector<16xi32>
      %gather3A_285 = tpu.vector_load_idx %arg9[%add3A_192, %broadcast_in_dim3A_284] : memref<512x32xf32, #tpu.memory_space<vmem>>[vector<16xi32>, vector<16xi32>], vector<16xf32>,
      %gather3A_286 = tpu.vector_load_idx %arg10[%add3A_192, %broadcast_in_dim3A_284] : memref<512x32xf32, #tpu.memory_space<vmem>>[vector<16xi32>, vector<16xi32>], vector<16xf32>,
      %mul3A_287 = arith.mulf %gather3A_285, %gather3A_286 : vector<16xf32>
      %add3A_288 = arith.addf %add3A_282, %mul3A_287 : vector<16xf32>
      %broadcast_in_dim3A_289 = arith.constant 16 : i32
      %broadcast_in_dim3A_290 = vector.broadcast %broadcast_in_dim3A_289 : i32 to vector<16xi32>
      %gather3A_291 = tpu.vector_load_idx %arg9[%add3A_192, %broadcast_in_dim3A_290] : memref<512x32xf32, #tpu.memory_space<vmem>>[vector<16xi32>, vector<16xi32>], vector<16xf32>,
      %gather3A_292 = tpu.vector_load_idx %arg10[%add3A_192, %broadcast_in_dim3A_290] : memref<512x32xf32, #tpu.memory_space<vmem>>[vector<16xi32>, vector<16xi32>], vector<16xf32>,
      %mul3A_293 = arith.mulf %gather3A_291, %gather3A_292 : vector<16xf32>
      %add3A_294 = arith.addf %add3A_288, %mul3A_293 : vector<16xf32>
      %broadcast_in_dim3A_295 = arith.constant 17 : i32
      %broadcast_in_dim3A_296 = vector.broadcast %broadcast_in_dim3A_295 : i32 to vector<16xi32>
      %gather3A_297 = tpu.vector_load_idx %arg9[%add3A_192, %broadcast_in_dim3A_296] : memref<512x32xf32, #tpu.memory_space<vmem>>[vector<16xi32>, vector<16xi32>], vector<16xf32>,
      %gather3A_298 = tpu.vector_load_idx %arg10[%add3A_192, %broadcast_in_dim3A_296] : memref<512x32xf32, #tpu.memory_space<vmem>>[vector<16xi32>, vector<16xi32>], vector<16xf32>,
      %mul3A_299 = arith.mulf %gather3A_297, %gather3A_298 : vector<16xf32>
      %add3A_300 = arith.addf %add3A_294, %mul3A_299 : vector<16xf32>
      %broadcast_in_dim3A_301 = arith.constant 18 : i32
      %broadcast_in_dim3A_302 = vector.broadcast %broadcast_in_dim3A_301 : i32 to vector<16xi32>
      %gather3A_303 = tpu.vector_load_idx %arg9[%add3A_192, %broadcast_in_dim3A_302] : memref<512x32xf32, #tpu.memory_space<vmem>>[vector<16xi32>, vector<16xi32>], vector<16xf32>,
      %gather3A_304 = tpu.vector_load_idx %arg10[%add3A_192, %broadcast_in_dim3A_302] : memref<512x32xf32, #tpu.memory_space<vmem>>[vector<16xi32>, vector<16xi32>], vector<16xf32>,
      %mul3A_305 = arith.mulf %gather3A_303, %gather3A_304 : vector<16xf32>
      %add3A_306 = arith.addf %add3A_300, %mul3A_305 : vector<16xf32>
      %broadcast_in_dim3A_307 = arith.constant 19 : i32
      %broadcast_in_dim3A_308 = vector.broadcast %broadcast_in_dim3A_307 : i32 to vector<16xi32>
      %gather3A_309 = tpu.vector_load_idx %arg9[%add3A_192, %broadcast_in_dim3A_308] : memref<512x32xf32, #tpu.memory_space<vmem>>[vector<16xi32>, vector<16xi32>], vector<16xf32>,
      %gather3A_310 = tpu.vector_load_idx %arg10[%add3A_192, %broadcast_in_dim3A_308] : memref<512x32xf32, #tpu.memory_space<vmem>>[vector<16xi32>, vector<16xi32>], vector<16xf32>,
      %mul3A_311 = arith.mulf %gather3A_309, %gather3A_310 : vector<16xf32>
      %add3A_312 = arith.addf %add3A_306, %mul3A_311 : vector<16xf32>
      %broadcast_in_dim3A_313 = arith.constant 20 : i32
      %broadcast_in_dim3A_314 = vector.broadcast %broadcast_in_dim3A_313 : i32 to vector<16xi32>
      %gather3A_315 = tpu.vector_load_idx %arg9[%add3A_192, %broadcast_in_dim3A_314] : memref<512x32xf32, #tpu.memory_space<vmem>>[vector<16xi32>, vector<16xi32>], vector<16xf32>,
      %gather3A_316 = tpu.vector_load_idx %arg10[%add3A_192, %broadcast_in_dim3A_314] : memref<512x32xf32, #tpu.memory_space<vmem>>[vector<16xi32>, vector<16xi32>], vector<16xf32>,
      %mul3A_317 = arith.mulf %gather3A_315, %gather3A_316 : vector<16xf32>
      %add3A_318 = arith.addf %add3A_312, %mul3A_317 : vector<16xf32>
      %broadcast_in_dim3A_319 = arith.constant 21 : i32
      %broadcast_in_dim3A_320 = vector.broadcast %broadcast_in_dim3A_319 : i32 to vector<16xi32>
      %gather3A_321 = tpu.vector_load_idx %arg9[%add3A_192, %broadcast_in_dim3A_320] : memref<512x32xf32, #tpu.memory_space<vmem>>[vector<16xi32>, vector<16xi32>], vector<16xf32>,
      %gather3A_322 = tpu.vector_load_idx %arg10[%add3A_192, %broadcast_in_dim3A_320] : memref<512x32xf32, #tpu.memory_space<vmem>>[vector<16xi32>, vector<16xi32>], vector<16xf32>,
      %mul3A_323 = arith.mulf %gather3A_321, %gather3A_322 : vector<16xf32>
      %add3A_324 = arith.addf %add3A_318, %mul3A_323 : vector<16xf32>
      %broadcast_in_dim3A_325 = arith.constant 22 : i32
      %broadcast_in_dim3A_326 = vector.broadcast %broadcast_in_dim3A_325 : i32 to vector<16xi32>
      %gather3A_327 = tpu.vector_load_idx %arg9[%add3A_192, %broadcast_in_dim3A_326] : memref<512x32xf32, #tpu.memory_space<vmem>>[vector<16xi32>, vector<16xi32>], vector<16xf32>,
      %gather3A_328 = tpu.vector_load_idx %arg10[%add3A_192, %broadcast_in_dim3A_326] : memref<512x32xf32, #tpu.memory_space<vmem>>[vector<16xi32>, vector<16xi32>], vector<16xf32>,
      %mul3A_329 = arith.mulf %gather3A_327, %gather3A_328 : vector<16xf32>
      %add3A_330 = arith.addf %add3A_324, %mul3A_329 : vector<16xf32>
      %broadcast_in_dim3A_331 = arith.constant 23 : i32
      %broadcast_in_dim3A_332 = vector.broadcast %broadcast_in_dim3A_331 : i32 to vector<16xi32>
      %gather3A_333 = tpu.vector_load_idx %arg9[%add3A_192, %broadcast_in_dim3A_332] : memref<512x32xf32, #tpu.memory_space<vmem>>[vector<16xi32>, vector<16xi32>], vector<16xf32>,
      %gather3A_334 = tpu.vector_load_idx %arg10[%add3A_192, %broadcast_in_dim3A_332] : memref<512x32xf32, #tpu.memory_space<vmem>>[vector<16xi32>, vector<16xi32>], vector<16xf32>,
      %mul3A_335 = arith.mulf %gather3A_333, %gather3A_334 : vector<16xf32>
      %add3A_336 = arith.addf %add3A_330, %mul3A_335 : vector<16xf32>
      %broadcast_in_dim3A_337 = arith.constant 24 : i32
      %broadcast_in_dim3A_338 = vector.broadcast %broadcast_in_dim3A_337 : i32 to vector<16xi32>
      %gather3A_339 = tpu.vector_load_idx %arg9[%add3A_192, %broadcast_in_dim3A_338] : memref<512x32xf32, #tpu.memory_space<vmem>>[vector<16xi32>, vector<16xi32>], vector<16xf32>,
      %gather3A_340 = tpu.vector_load_idx %arg10[%add3A_192, %broadcast_in_dim3A_338] : memref<512x32xf32, #tpu.memory_space<vmem>>[vector<16xi32>, vector<16xi32>], vector<16xf32>,
      %mul3A_341 = arith.mulf %gather3A_339, %gather3A_340 : vector<16xf32>
      %add3A_342 = arith.addf %add3A_336, %mul3A_341 : vector<16xf32>
      %broadcast_in_dim3A_343 = arith.constant 25 : i32
      %broadcast_in_dim3A_344 = vector.broadcast %broadcast_in_dim3A_343 : i32 to vector<16xi32>
      %gather3A_345 = tpu.vector_load_idx %arg9[%add3A_192, %broadcast_in_dim3A_344] : memref<512x32xf32, #tpu.memory_space<vmem>>[vector<16xi32>, vector<16xi32>], vector<16xf32>,
      %gather3A_346 = tpu.vector_load_idx %arg10[%add3A_192, %broadcast_in_dim3A_344] : memref<512x32xf32, #tpu.memory_space<vmem>>[vector<16xi32>, vector<16xi32>], vector<16xf32>,
      %mul3A_347 = arith.mulf %gather3A_345, %gather3A_346 : vector<16xf32>
      %add3A_348 = arith.addf %add3A_342, %mul3A_347 : vector<16xf32>
      %broadcast_in_dim3A_349 = arith.constant 26 : i32
      %broadcast_in_dim3A_350 = vector.broadcast %broadcast_in_dim3A_349 : i32 to vector<16xi32>
      %gather3A_351 = tpu.vector_load_idx %arg9[%add3A_192, %broadcast_in_dim3A_350] : memref<512x32xf32, #tpu.memory_space<vmem>>[vector<16xi32>, vector<16xi32>], vector<16xf32>,
      %gather3A_352 = tpu.vector_load_idx %arg10[%add3A_192, %broadcast_in_dim3A_350] : memref<512x32xf32, #tpu.memory_space<vmem>>[vector<16xi32>, vector<16xi32>], vector<16xf32>,
      %mul3A_353 = arith.mulf %gather3A_351, %gather3A_352 : vector<16xf32>
      %add3A_354 = arith.addf %add3A_348, %mul3A_353 : vector<16xf32>
      %broadcast_in_dim3A_355 = arith.constant 27 : i32
      %broadcast_in_dim3A_356 = vector.broadcast %broadcast_in_dim3A_355 : i32 to vector<16xi32>
      %gather3A_357 = tpu.vector_load_idx %arg9[%add3A_192, %broadcast_in_dim3A_356] : memref<512x32xf32, #tpu.memory_space<vmem>>[vector<16xi32>, vector<16xi32>], vector<16xf32>,
      %gather3A_358 = tpu.vector_load_idx %arg10[%add3A_192, %broadcast_in_dim3A_356] : memref<512x32xf32, #tpu.memory_space<vmem>>[vector<16xi32>, vector<16xi32>], vector<16xf32>,
      %mul3A_359 = arith.mulf %gather3A_357, %gather3A_358 : vector<16xf32>
      %add3A_360 = arith.addf %add3A_354, %mul3A_359 : vector<16xf32>
      %broadcast_in_dim3A_361 = arith.constant 28 : i32
      %broadcast_in_dim3A_362 = vector.broadcast %broadcast_in_dim3A_361 : i32 to vector<16xi32>
      %gather3A_363 = tpu.vector_load_idx %arg9[%add3A_192, %broadcast_in_dim3A_362] : memref<512x32xf32, #tpu.memory_space<vmem>>[vector<16xi32>, vector<16xi32>], vector<16xf32>,
      %gather3A_364 = tpu.vector_load_idx %arg10[%add3A_192, %broadcast_in_dim3A_362] : memref<512x32xf32, #tpu.memory_space<vmem>>[vector<16xi32>, vector<16xi32>], vector<16xf32>,
      %mul3A_365 = arith.mulf %gather3A_363, %gather3A_364 : vector<16xf32>
      %add3A_366 = arith.addf %add3A_360, %mul3A_365 : vector<16xf32>
      %broadcast_in_dim3A_367 = arith.constant 29 : i32
      %broadcast_in_dim3A_368 = vector.broadcast %broadcast_in_dim3A_367 : i32 to vector<16xi32>
      %gather3A_369 = tpu.vector_load_idx %arg9[%add3A_192, %broadcast_in_dim3A_368] : memref<512x32xf32, #tpu.memory_space<vmem>>[vector<16xi32>, vector<16xi32>], vector<16xf32>,
      %gather3A_370 = tpu.vector_load_idx %arg10[%add3A_192, %broadcast_in_dim3A_368] : memref<512x32xf32, #tpu.memory_space<vmem>>[vector<16xi32>, vector<16xi32>], vector<16xf32>,
      %mul3A_371 = arith.mulf %gather3A_369, %gather3A_370 : vector<16xf32>
      %add3A_372 = arith.addf %add3A_366, %mul3A_371 : vector<16xf32>
      %broadcast_in_dim3A_373 = arith.constant 30 : i32
      %broadcast_in_dim3A_374 = vector.broadcast %broadcast_in_dim3A_373 : i32 to vector<16xi32>
      %gather3A_375 = tpu.vector_load_idx %arg9[%add3A_192, %broadcast_in_dim3A_374] : memref<512x32xf32, #tpu.memory_space<vmem>>[vector<16xi32>, vector<16xi32>], vector<16xf32>,
      %gather3A_376 = tpu.vector_load_idx %arg10[%add3A_192, %broadcast_in_dim3A_374] : memref<512x32xf32, #tpu.memory_space<vmem>>[vector<16xi32>, vector<16xi32>], vector<16xf32>,
      %mul3A_377 = arith.mulf %gather3A_375, %gather3A_376 : vector<16xf32>
      %add3A_378 = arith.addf %add3A_372, %mul3A_377 : vector<16xf32>
      %broadcast_in_dim3A_379 = arith.constant 31 : i32
      %broadcast_in_dim3A_380 = vector.broadcast %broadcast_in_dim3A_379 : i32 to vector<16xi32>
      %gather3A_381 = tpu.vector_load_idx %arg9[%add3A_192, %broadcast_in_dim3A_380] : memref<512x32xf32, #tpu.memory_space<vmem>>[vector<16xi32>, vector<16xi32>], vector<16xf32>,
      %gather3A_382 = tpu.vector_load_idx %arg10[%add3A_192, %broadcast_in_dim3A_380] : memref<512x32xf32, #tpu.memory_space<vmem>>[vector<16xi32>, vector<16xi32>], vector<16xf32>,
      %mul3A_383 = arith.mulf %gather3A_381, %gather3A_382 : vector<16xf32>
      %add3A_384 = arith.addf %add3A_378, %mul3A_383 : vector<16xf32>
      %neg3A = arith.constant 0.000000e+00 : f32
      %neg3A_385 = vector.broadcast %neg3A : f32 to vector<16xf32>
      %neg3A_386 = arith.subf %neg3A_385, %add3A_384 : vector<16xf32>
      %exp3A = math.exp %neg3A_386 : vector<16xf32>
      %add3A_387 = arith.constant 1.000000e+00 : f32
      %add3A_388 = vector.broadcast %add3A_387 : f32 to vector<16xf32>
      %add3A_389 = arith.addf %add3A_388, %exp3A : vector<16xf32>
      %div3A = arith.constant 1.000000e+00 : f32
      %div3A_390 = vector.broadcast %div3A : f32 to vector<16xf32>
      %div3A_391 = arith.divf %div3A_390, %add3A_389 : vector<16xf32>
      tpu.vector_store_idx %arg11[%add3A_192], %div3A_391 : memref<512xf32, #tpu.memory_space<vmem>>[vector<16xi32>], vector<16xf32>,
    }
    %scan3A_187 = arith.constant 32 : i32
    "tpu.region"() ({
      %run_scoped3A_188 = tpu.sem_alloc : memref<!tpu.dma_semaphore, #tpu.memory_space<semaphore_mem>>
      %dma_start3A_189 = tpu.memref_slice %arg6[%mul3A_2] : memref<16384xf32, #tpu.memory_space<hbm>> -> memref<512xf32, #tpu.memory_space<hbm>>
      %dma_start3A_190 = tpu.memref_slice %arg6[%mul3A_2] : memref<16384xf32, #tpu.memory_space<hbm>> -> memref<512xf32, #tpu.memory_space<hbm>>
      tpu.enqueue_dma source(%arg11 : memref<512xf32, #tpu.memory_space<vmem>>) target(%dma_start3A_190 : memref<512xf32, #tpu.memory_space<hbm>>) target_semaphore(%run_scoped3A_188 : memref<!tpu.dma_semaphore, #tpu.memory_space<semaphore_mem>>)
      %dma_wait3A_191 = tpu.memref_slice %arg6[%mul3A_2] : memref<16384xf32, #tpu.memory_space<hbm>> -> memref<512xf32, #tpu.memory_space<hbm>>
      %dma_wait3A_192 = tpu.memref_slice %arg6[%mul3A_2] : memref<16384xf32, #tpu.memory_space<hbm>> -> memref<512xf32, #tpu.memory_space<hbm>>
      tpu.wait_dma2 semaphore(%run_scoped3A_188 : memref<!tpu.dma_semaphore, #tpu.memory_space<semaphore_mem>>) src(%arg11 : memref<512xf32, #tpu.memory_space<vmem>>) dst(%dma_wait3A_192 : memref<512xf32, #tpu.memory_space<hbm>>)
      tpu.yield
    }) : () -> ()
    return
  }
}

</mosaic_0001>

<sc_bundles>
// kernel: _run.3.cloned.1.call-start
scs
__scs_entry_jumppad:
0x0: {  	(pc) =	sbr.rel $0x88, $3  }
0x1: {  	(tag) =	ssettag $0x0;
	lr =	simm.s32 $0x1  }
0x2: {  	[smem:$0x3F9D] =	sst lr;
	_ =	strace $0xD0000000  }
0x3: {  	_ = 	snop  }
0x4: {  	_ = 	snop  }
0x5: {  	_ = 	snop  }
0x6: {  	_ = 	snop  }
0x7: {  	_ = 	snop  }
__scs_overlays_trampoline_lowered:
0x8: {  	[smem:$0x3FAC] =	sst s0  }
0x9: {  	[smem:$0x3FAD] =	sst s1  }
0xa: {  	[smem:$0x3FAE] =	sst s2  }
0xb: {  	[smem:$0x3FAF] =	sst s3  }
0xc: {  	[smem:$0x3FB0] =	sst s4  }
0xd: {  	[smem:$0x3FB1] =	sst s5  }
0xe: {  	[smem:$0x3FB2] =	sst s6  }
0xf: {  	[smem:$0x3FB3] =	sst s7  }
0x10: {  	[smem:$0x3FB4] =	sst s8  }
0x11: {  	[smem:$0x3FB5] =	sst s9;
	s0 =	simm.s32 @!p0 $0x0  }
0x12: {  	s1 =	sld [smem:$0x3F9B];
	s0 =	simm.s32 @p0 $0x1  }
0x13: {  	[smem:$0x3FB6] =	sst s0;
	s0 =	simm.s32 @!p1 $0x0  }
0x14: {  	s2 =	sld [smem:$0x3F9A];
	s0 =	simm.s32 @p1 $0x1  }
0x15: {  	[smem:$0x3FB7] =	sst s0;
	s0 =	simm.s32 @!p2 $0x0  }
0x16: {  	s3 =	sld [smem:$0x3FDB];
	s0 =	simm.s32 @p2 $0x1  }
0x17: {  	s4 =	simm.s32 $0x1BF5;
	[smem:$0x3FB9] =	sst s0  }
0x18: {  	s0 =	sld [smem:$0x3F9C];
	_ =	swait.ge [sflag:s4], $0x0  }
0x19: {  	s7 =	sld [smem:$0x3F9D]  }
0x1a: {  	s8 =	sadd.s32 $0xFFFFE003, lr  }
0x1b: {  	s9 =	sadd.s32 $0xFFFFFEF7, lr;
	s5 =	simm.s32 $0xFFFFFFFF;
	p2 =	slt.u32 s8, $0xFFFFF086  }
0x1c: {  	p1 =	slt.u32 s9, $0xF7A;
	s5 =	simm.s32 @!p2 $0x0  }
0x1d: {  	s5 =	simm.s32 @p1 $0x1;
	p0 =	seq.s32 s7, s2  }
0x1e: {  	s7 =	smul.u32 @!p0 $0xF7A, s2;
	p2 =	seq.s32 @!p0 s5, $0x0  }
0x1f: {  	s9 =	smul.u32 $0xF7A, s1;
	s8 =	simm.s32 @!p0 $0x1BF5;
	p2 =	por !p2, p0  }
0x20: {  	[sflag:s8] =	ssyncset.s32 @!p0 $0xFFFFF086;
	s6 =	sadd.s32 @!p0 s3, s7;
	s7 =	simm.s32 @!p0 $0x108  }
0x21: {  	s3 =	sadd.s32 s3, s9;
	s6 =	sadd.s32 @!p0 $0x88, s6;
	s7 =	simm.s32 @p2 $0x1082  }
0x22: {  	[simem:s7], [sflag:s8] =	dma.local @!p0 [hbm:s6], $0xF7A  }
0x23: {  	s9 =	sor.u32 $0xD0000000, s2;
	s6 =	simm.s32 $0x108;
	_ =	swait.ge @!p0 [sflag:s8], $0x0  }
0x24: {  	s3 =	sadd.s32 $0x88, s3;
	s6 =	simm.s32 @!p1 $0x1082;
	[sflag:s4] =	ssyncset.s32 $0xFFFFF086  }
0x25: {  	[simem:s6], [sflag:s4] =	dma.local [hbm:s3], $0xF7A  }
0x26: {  	[smem:$0x3F9D] =	sst s1;
	(tag) =	ssettag s2;
	_ =	strace s9  }
0x27: {  	s1 =	sld [smem:$0x3FAD]  }
0x28: {  	s2 =	sld [smem:$0x3FAE]  }
0x29: {  	s4 =	sld [smem:$0x3FB0]  }
0x2a: {  	p0 =	seq.s32 s5, $0x0;
	s5 =	sld [smem:$0x3FB1]  }
0x2b: {  	s6 =	sld [smem:$0x3FB2]  }
0x2c: {  	s7 =	sld [smem:$0x3FB3]  }
0x2d: {  	s3 =	simm.s32 $0x108;
	s8 =	sld [smem:$0x3FB4]  }
0x2e: {  	s3 =	simm.s32 @!p0 $0x1082;
	s9 =	sld [smem:$0x3FB5]  }
0x2f: {  	lr =	sadd.s32 s0, s3;
	s0 =	sld [smem:$0x3FAC]  }
0x30: {  	s3 =	sld [smem:$0x3FAF]  }
0x31: {  	[smem:$0x3FB8] =	sst s10  }
0x32: {  	s10 =	sld [smem:$0x3FB6];
	_ =	sdelay $0x3  }
0x33: {  	p0 =	seq.s32 s10, $0x1;
	s10 =	sld [smem:$0x3FB8];
	_ =	sdelay $0x3  }
0x34: {  	[smem:$0x3FB8] =	sst s10  }
0x35: {  	s10 =	sld [smem:$0x3FB7];
	_ =	sdelay $0x3  }
0x36: {  	p1 =	seq.s32 s10, $0x1;
	s10 =	sld [smem:$0x3FB8];
	_ =	sdelay $0x3  }
0x37: {  	[smem:$0x3FB8] =	sst s10  }
0x38: {  	s10 =	sld [smem:$0x3FB9]  }
0x39: {  	_ = 	snop;
	(pc) =	sbr.ind lr, $3  }
0x3a: {  	_ = 	snop  }
0x3b: {  	_ = 	snop  }
0x3c: {  	p2 =	seq.s32 s10, $0x1;
	s10 =	sld [smem:$0x3FB8]  }
0x3d: {  	_ =	shalt  }
0x3e: {  	_ =	shalt  }
0x3f: {  	_ =	shalt  }
0x40: {  	_ =	shalt  }
0x41: {  	_ =	shalt  }
0x42: {  	_ =	shalt  }
0x43: {  	_ =	shalt  }
0x44: {  	_ =	shalt  }
0x45: {  	_ =	shalt  }
0x46: {  	_ =	shalt  }
0x47: {  	_ =	shalt  }
0x48: {  	_ =	shalt  }
0x49: {  	_ =	shalt  }
0x4a: {  	_ =	shalt  }
0x4b: {  	_ =	shalt  }
0x4c: {  	_ =	shalt  }
0x4d: {  	_ =	shalt  }
0x4e: {  	_ =	shalt  }
0x4f: {  	_ =	shalt  }
0x50: {  	_ =	shalt  }
0x51: {  	_ =	shalt  }
0x52: {  	_ =	shalt  }
0x53: {  	_ =	shalt  }
0x54: {  	_ =	shalt  }
0x55: {  	_ =	shalt  }
0x56: {  	_ =	shalt  }
0x57: {  	_ =	shalt  }
0x58: {  	_ =	shalt  }
0x59: {  	_ =	shalt  }
0x5a: {  	_ =	shalt  }
0x5b: {  	_ =	shalt  }
0x5c: {  	_ =	shalt  }
0x5d: {  	_ =	shalt  }
0x5e: {  	_ =	shalt  }
0x5f: {  	_ =	shalt  }
0x60: {  	_ =	shalt  }
0x61: {  	_ =	shalt  }
0x62: {  	_ =	shalt  }
0x63: {  	_ =	shalt  }
0x64: {  	_ =	shalt  }
0x65: {  	_ =	shalt  }
0x66: {  	_ =	shalt  }
0x67: {  	_ =	shalt  }
0x68: {  	_ =	shalt  }
0x69: {  	_ =	shalt  }
0x6a: {  	_ =	shalt  }
0x6b: {  	_ =	shalt  }
0x6c: {  	_ =	shalt  }
0x6d: {  	_ =	shalt  }
0x6e: {  	_ =	shalt  }
0x6f: {  	_ =	shalt  }
0x70: {  	_ =	shalt  }
0x71: {  	_ =	shalt  }
0x72: {  	_ =	shalt  }
0x73: {  	_ =	shalt  }
0x74: {  	_ =	shalt  }
0x75: {  	_ =	shalt  }
0x76: {  	_ =	shalt  }
0x77: {  	_ =	shalt  }
0x78: {  	_ =	shalt  }
0x79: {  	_ =	shalt  }
0x7a: {  	_ =	shalt  }
0x7b: {  	_ =	shalt  }
0x7c: {  	_ =	shalt  }
0x7d: {  	_ =	shalt  }
0x7e: {  	_ =	shalt  }
0x7f: {  	_ =	shalt  }
0x80: {  	_ =	shalt  }
0x81: {  	_ =	shalt  }
0x82: {  	_ =	shalt  }
0x83: {  	_ =	shalt  }
0x84: {  	_ =	shalt  }
0x85: {  	_ =	shalt  }
0x86: {  	_ =	shalt  }
0x87: {  	_ =	shalt  }
.Lfunc_end0:
.L_simem_size_0:
called_computation_lowered:
.L_overlay_start_0:
0x88: {  	s2 =	sld [smem:$0x3FD9]  }
0x89: {  	s3 =	sld [smem:$0x3FFE];
	_ =	sdelay $0x1  }
0x8a: {  	s1 =	srdreg.scid  }
0x8b: {  	s0 =	sand.u32 $0x1, s1  }
0x8c: {  	s17 =	sshll.u32 s0, $0xA;
	s2 =	sadd.s32 s3, s2  }
0x8d: {  	s2 =	sadd.s32 s2, s17  }
0x8e: {  	[smem:$0x3FC4] =	sst s2  }
0x8f: {  	_ = 	snop  }
0x90: {  	s2 =	sld [smem:$0x3FC9]  }
0x91: {  	s18 =	sld [smem:$0x3FC8]  }
0x92: {  	s4 =	sld [smem:$0x3FD0];
	(tm) =	ssettm $0x1  }
0x93: {  	s5 =	sld [smem:$0x3FFB];
	_ =	sdelay $0x3  }
0x94: {  	_ =	strace s5  }
0x95: {  	s5 =	sld [smem:$0x3FFC];
	_ =	sdelay $0x3  }
0x96: {  	_ =	strace s5  }
0x97: {  	s5 =	sld [smem:$0x3FFD];
	_ =	sdelay $0x3  }
0x98: {  	_ =	strace s5  }
0x99: {  	_ =	strace $0x8FFFFFFF  }
0x9a: {  	s19 =	sld [smem:$0x3FDB];
	_ =	sdelay $0x1  }
0x9b: {  	s6 =	simm.s32 $_scs_section_size  }
0x9c: {  	s7 =	simm.s32 $_size__tile_overlayer_lowered;
	s8 =	simm.s32 $_tile_overlayer_lowered  }
0x9d: {  	s22 =	simm.s32 $0x1BFF;
	s21 =	sshll.u32 s8, $0x1;
	s5 =	sadd.s32 s6, s19  }
0x9e: {  	s9 =	simm.s32 $0x0;
	s20 =	sshll.u32 s7, $0x1;
	s7 =	sadd.s32 s21, s5  }
0x9f: {  	[timem:s9], [sflag:s22] =	dma.local [hbm:s7], s20  }
0xa0: {  	_ =	swait.ge [sflag:s22], s20  }
0xa1: {  	s6 =	ssub.s32 $0x0, s20;
	[sflag:s22] =	ssyncset.done $0x0  }
0xa2: {  	[sflag:s22] =	ssyncadd.s32 s6;
	_ =	sdelay $0x1  }
0xa3: {  	s23 =	simm.s32 $0x1B8B  }
0xa4: {  	_ =	swait.ge [sflag:s23], $0x1  }
0xa5: {  	[sflag:s23] =	ssyncset.done $0x0  }
0xa6: {  	s25 =	simm.s32 $0x1B8E;
	s24 =	sld [smem:$0x3FFE];
	[sflag:s23] =	ssyncadd.s32 $0xFFFFFFFF  }
0xa7: {  	s26 =	simm.s32 $execute0_lowered;
	[smem:$0x3FD2] =	sst s25  }
0xa8: {  	s7 =	sshll.u32 s26, $0x1;
	_ =	strace $0x80000046;
	[dreg:$0x1] =	wrdreg $0xFFFFFFFF  }
0xa9: {  	s28 =	simm.s32 $_size_execute0_lowered;
	s5 =	sadd.s32 s5, s7;
	[dreg:$0x0] =	wrdreg $0x0  }
0xaa: {  	s7 =	sshll.u32 s28, $0x1;
	[dreg:$0x2] =	wrdreg s5  }
0xab: {  	[dreg:$0x3] =	wrdreg s7  }
0xac: {  	[dreg:$0x4] =	wrdreg $0xC0  }
0xad: {  	_ =	task [dreg:s9], $0x5FFFF  }
0xae: {  	[dreg:$0x1] =	wrdreg $0xFFFFFFFF  }
0xaf: {  	[dreg:$0x0] =	wrdreg $0x60  }
0xb0: {  	[dreg:$0x2] =	wrdreg s2  }
0xb1: {  	[dreg:$0x3] =	wrdreg s18  }
0xb2: {  	[dreg:$0x4] =	wrdreg s24  }
0xb3: {  	[dreg:$0x5] =	wrdreg s4  }
0xb4: {  	[dreg:$0x6] =	wrdreg $0x9  }
0xb5: {  	_ =	task.clear_ibuf [dreg:s9], $0x7FFFF;
	_ =	strace $0x90000046  }
0xb6: {  	s29 =	simm.s32 $0x9;
	_ =	strace $0x80000048  }
0xb7: {  	_ =	swait.ge [sflag:s29], $0x1  }
0xb8: {  	[sflag:s29] =	ssyncadd.s32 $0xFFFFFFFF  }
0xb9: {  	_ =	strace $0x90000048  }
0xba: {  	_ =	sfence  }
0xbb: {  	s30 =	sld [smem:$0x0];
	_ =	sdelay $0x2  }
0xbc: {  	s31 =	sshll.u32 s1, $0xD;
	s1 =	sshrl.u32 s1, $0x2  }
0xbd: {  	s3 =	sand.u32 $0x4000, s31;
	s1 =	sadd.s32 s1, s30  }
0xbe: {  	s0 =	sor.u32 s3, s0;
	s1 =	sshll.u32 s1, $0x11  }
0xbf: {  	s0 =	sor.u32 s1, s0  }
0xc0: {  	s0 =	sadd.s32 $0x8F2B, s0  }
0xc1: {  	[sflag:s0] =	ssyncadd.remote.s32 $0x1  }
0xc2: {  	_ =	sfence.sel $0xFFFF  }
0xc3: {  	[dreg:$0x0] =	wrdreg $0xFFFFFFFF;
	(pc) =	sbr.abs _section_cstart, $3  }
0xc4: {  	[dreg:$0x1] =	wrdreg $0xFFFFFFFF  }
0xc5: {  	_ =	task.clear_ibuf [dreg:s9], $0x2FFFF;
	_ =	strace $0x9FFFFFFF  }
0xc6: {  	(tm) =	ssettm $0x7FFFFFFF  }
0xc7: {  	_ =	shalt  }
tec
execute0_lowered:
.L_overlay_start_1:
0x0: {  	(tag) =	ssettag $0x1  }
0x1: {  	s0 =	rddreg [dreg:$0x0]  }
0x2: {  	s2 =	rddreg [dreg:$0x1]  }
0x3: {  	s4 =	rddreg [dreg:$0x2]  }
0x4: {  	s13 =	rddreg [dreg:$0x3];
	s1 =	simm.s32 $0x0;
	s5 =	srdreg.scid  }
0x5: {  	s7 =	stileid.u32;
	s16 =	simm.s32 $0x200;
	s17 =	simm.s32 $0x80  }
0x6: {  	s18 =	simm.s32 $0x280;
	s19 =	simm.s32 $0x100;
	s20 =	simm.s32 $0x300  }
0x7: {  	s21 =	simm.s32 $0x180;
	s22 =	simm.s32 $0x380;
	s23 =	simm.s32 $0x400  }
0x8: {  	s24 =	simm.s32 $0x4400;
	s28 =	simm.s32 $0x2400;
	s29 =	simm.s32 $0x6400  }
0x9: {  	s30 =	simm.s32 $0x3400;
	s31 =	simm.s32 $0x7400;
	s25 =	simm.s32 $0x0  }
0xa: {  	[smem:$0x7FF] =	sst s1;
	s3 =	sadd.s32 $0x187000, s4;
	s5 =	sand.u32 $0x1, s5  }
0xb: {  	s7 =	sshll.u32 s7, $0x7;
	s6 =	ssub.s32 $0x2, s5;
	s5 =	sshll.u32 s5, $0x6  }
0xc: {  	s4 =	sadd.s32 $0xF42A00, s4;
	s8 =	sshrl.u32 s6, $0x1;
	s14 =	sor.u32 s5, s7  }
0xd: {  	_ =	strace $0x80000047;
	s15 =	ssub.s32 s6, s8;
	s5 =	sadd.s32 s0, s14  }
0xe: {  	s26 =	sor.u32 $0x10, s14;
	s6 =	sadd.s32 s2, s14;
	s10 =	sor.u32 $0x20, s14  }
0xf: {  	s12 =	sor.u32 $0x30, s14;
	s13 =	sadd.s32 s13, s14;
	s7 =	sadd.s32 s0, s26  }
0x10: {  	s8 =	sadd.s32 s2, s26;
	s9 =	sadd.s32 s0, s10;
	s10 =	sadd.s32 s2, s10  }
0x11: {  	v0 =	vlaneseq.u32;
	s11 =	sadd.s32 s0, s12;
	s12 =	sadd.s32 s2, s12;
	s14 =	smax.u32 s15, $0x1  }
0x12: {  	v1 =	vor.u32 $0xFFFFFFF8, v0;
	s15 =	simm.s32 $0x2;
	s0 =	simm.s32 $0x1;
	s2 =	simm.s32 $0x8400  }
.LBB2_1:
0x13: {  	[tilespmem:s1], [sflag:$0x2] =	stream.linear.gather [hbm4b:s5+s1], $0x80, $0x38;
	[tilespmem:$0x8600] =	vst v63  }
0x14: {  	_ =	swait.ge [sflag:s15], $0x80  }
0x15: {  	[sflag:s15] =	ssyncset.done $0x0  }
0x16: {  	[sflag:s15] =	ssyncadd.s32 $0xFFFFFF80  }
0x17: {  	[tilespmem:s16], [sflag:$0x2] =	stream.linear.gather [hbm4b:s6+s1], $0x80, $0x38;
	[tilespmem:$0x8600] =	vst v63  }
0x18: {  	_ =	swait.ge [sflag:s15], $0x80  }
0x19: {  	[sflag:s15] =	ssyncset.done $0x0  }
0x1a: {  	[sflag:s15] =	ssyncadd.s32 $0xFFFFFF80  }
0x1b: {  	[tilespmem:s17], [sflag:$0x2] =	stream.linear.gather [hbm4b:s7+s1], $0x80, $0x38;
	[tilespmem:$0x8600] =	vst v63  }
0x1c: {  	_ =	swait.ge [sflag:s15], $0x80  }
0x1d: {  	[sflag:s15] =	ssyncset.done $0x0  }
0x1e: {  	[sflag:s15] =	ssyncadd.s32 $0xFFFFFF80  }
0x1f: {  	[tilespmem:s18], [sflag:$0x2] =	stream.linear.gather [hbm4b:s8+s1], $0x80, $0x38;
	[tilespmem:$0x8600] =	vst v63  }
0x20: {  	_ =	swait.ge [sflag:s15], $0x80  }
0x21: {  	[sflag:s15] =	ssyncset.done $0x0  }
0x22: {  	[sflag:s15] =	ssyncadd.s32 $0xFFFFFF80  }
0x23: {  	[tilespmem:s19], [sflag:$0x2] =	stream.linear.gather [hbm4b:s9+s1], $0x80, $0x38;
	[tilespmem:$0x8600] =	vst v63  }
0x24: {  	_ =	swait.ge [sflag:s15], $0x80  }
0x25: {  	[sflag:s15] =	ssyncset.done $0x0  }
0x26: {  	[sflag:s15] =	ssyncadd.s32 $0xFFFFFF80  }
0x27: {  	[tilespmem:s20], [sflag:$0x2] =	stream.linear.gather [hbm4b:s10+s1], $0x80, $0x38;
	[tilespmem:$0x8600] =	vst v63  }
0x28: {  	_ =	swait.ge [sflag:s15], $0x80  }
0x29: {  	[sflag:s15] =	ssyncset.done $0x0  }
0x2a: {  	[sflag:s15] =	ssyncadd.s32 $0xFFFFFF80  }
0x2b: {  	[tilespmem:s21], [sflag:$0x2] =	stream.linear.gather [hbm4b:s11+s1], $0x80, $0x38;
	[tilespmem:$0x8600] =	vst v63  }
0x2c: {  	_ =	swait.ge [sflag:s15], $0x80  }
0x2d: {  	[sflag:s15] =	ssyncset.done $0x0  }
0x2e: {  	[sflag:s15] =	ssyncadd.s32 $0xFFFFFF80  }
0x2f: {  	[tilespmem:s22], [sflag:$0x2] =	stream.linear.gather [hbm4b:s12+s1], $0x80, $0x38;
	[tilespmem:$0x8600] =	vst v63  }
0x30: {  	_ =	swait.ge [sflag:s15], $0x80  }
0x31: {  	[sflag:s15] =	ssyncset.done $0x0  }
0x32: {  	[sflag:s15] =	ssyncadd.s32 $0xFFFFFF80  }
0x33: {  	[tilespmem:s23], [sflag:$0x1] =	stream.indirect.gather [hbm4b:s3+s17], $0x20, s1, s17, $0xb8;
	[tilespmem:$0x8600] =	vst v63  }
0x34: {  	_ = 	snop  }
0x35: {  	[tilespmem:s24], [sflag:$0x1] =	stream.indirect.gather [hbm4b:s4+s17], $0x20, s16, s17, $0xb8;
	[tilespmem:$0x8600] =	vst v63  }
0x36: {  	s26 =	simm.s32 $0x1400  }
0x37: {  	[tilespmem:s26], [sflag:$0x1] =	stream.indirect.gather [hbm4b:s3+s17], $0x20, s17, s17, $0xb8;
	[tilespmem:$0x8600] =	vst v63  }
0x38: {  	s26 =	simm.s32 $0x5400  }
0x39: {  	[tilespmem:s26], [sflag:$0x1] =	stream.indirect.gather [hbm4b:s4+s17], $0x20, s18, s17, $0xb8;
	[tilespmem:$0x8600] =	vst v63  }
0x3a: {  	_ = 	snop  }
0x3b: {  	[tilespmem:s28], [sflag:$0x1] =	stream.indirect.gather [hbm4b:s3+s17], $0x20, s19, s17, $0xb8;
	[tilespmem:$0x8600] =	vst v63  }
0x3c: {  	_ = 	snop  }
0x3d: {  	[tilespmem:s29], [sflag:$0x1] =	stream.indirect.gather [hbm4b:s4+s17], $0x20, s20, s17, $0xb8;
	[tilespmem:$0x8600] =	vst v63  }
0x3e: {  	_ = 	snop  }
0x3f: {  	[tilespmem:s30], [sflag:$0x1] =	stream.indirect.gather [hbm4b:s3+s17], $0x20, s21, s17, $0xb8;
	[tilespmem:$0x8600] =	vst v63  }
0x40: {  	_ = 	snop  }
0x41: {  	[tilespmem:s31], [sflag:$0x1] =	stream.indirect.gather [hbm4b:s4+s17], $0x20, s22, s17, $0xb8;
	[tilespmem:$0x8600] =	vst v63  }
0x42: {  	_ =	swait.ge [sflag:s0], $0x1000  }
0x43: {  	[sflag:s0] =	ssyncset.done $0x0  }
0x44: {  	[sflag:s0] =	ssyncadd.s32 $0xFFFFF000  }
0x45: {  	_ =	swait.ge [sflag:s0], $0x1000  }
0x46: {  	[sflag:s0] =	ssyncset.done $0x0  }
0x47: {  	[sflag:s0] =	ssyncadd.s32 $0xFFFFF000  }
0x48: {  	_ =	swait.ge [sflag:s0], $0x1000  }
0x49: {  	[sflag:s0] =	ssyncset.done $0x0  }
0x4a: {  	[sflag:s0] =	ssyncadd.s32 $0xFFFFF000  }
0x4b: {  	_ =	swait.ge [sflag:s0], $0x1000  }
0x4c: {  	[sflag:s0] =	ssyncset.done $0x0  }
0x4d: {  	[sflag:s0] =	ssyncadd.s32 $0xFFFFF000  }
0x4e: {  	_ =	swait.ge [sflag:s0], $0x1000  }
0x4f: {  	[sflag:s0] =	ssyncset.done $0x0  }
0x50: {  	[sflag:s0] =	ssyncadd.s32 $0xFFFFF000  }
0x51: {  	_ =	swait.ge [sflag:s0], $0x1000  }
0x52: {  	[sflag:s0] =	ssyncset.done $0x0  }
0x53: {  	[sflag:s0] =	ssyncadd.s32 $0xFFFFF000  }
0x54: {  	v3 =	vor.u32 s1, v0;
	_ =	swait.ge [sflag:s0], $0x1000  }
0x55: {  	v2 =	vshll.u32 v3, $0x5;
	[sflag:s0] =	ssyncset.done $0x0  }
0x56: {  	[sflag:s0] =	ssyncadd.s32 $0xFFFFF000  }
0x57: {  	v4 =	vor.u32 $0x1, v2;
	_ =	swait.ge [sflag:s0], $0x1000  }
0x58: {  	[sflag:s0] =	ssyncset.done $0x0  }
0x59: {  	v5 =	vor.u32 $0x2, v2;
	[sflag:s0] =	ssyncadd.s32 $0xFFFFF000  }
0x5a: {  	v6 =	vld.idx.msk [tilespmem:v2+s24+$0x0], $0xffff  }
0x5b: {  	v8 =	vor.u32 $0x3, v2;
	v7 =	vld.idx.msk [tilespmem:v2+s23+$0x0], $0xffff  }
0x5c: {  	v9 =	vld.idx.msk [tilespmem:v4+s23+$0x0], $0xffff  }
0x5d: {  	v10 =	vor.u32 $0x4, v2;
	v4 =	vld.idx.msk [tilespmem:v4+s24+$0x0], $0xffff  }
0x5e: {  	v11 =	vld.idx.msk [tilespmem:v5+s23+$0x0], $0xffff  }
0x5f: {  	v12 =	vor.u32 $0x5, v2;
	v5 =	vld.idx.msk [tilespmem:v5+s24+$0x0], $0xffff  }
0x60: {  	v13 =	vld.idx.msk [tilespmem:v8+s23+$0x0], $0xffff;
	v6 =	vmul.f32 v6, v7  }
0x61: {  	v50 =	vor.u32 $0x6, v2;
	v7 =	vld.idx.msk [tilespmem:v8+s24+$0x0], $0xffff  }
0x62: {  	v14 =	vld.idx.msk [tilespmem:v10+s23+$0x0], $0xffff;
	v4 =	vmul.f32 v4, v9;
	v6 =	vadd.f32 $0.0e+00, v6  }
0x63: {  	v52 =	vor.u32 $0x7, v2;
	v51 =	vld.idx.msk [tilespmem:v10+s24+$0x0], $0xffff  }
0x64: {  	v15 =	vld.idx.msk [tilespmem:v12+s23+$0x0], $0xffff;
	v5 =	vmul.f32 v5, v11;
	v4 =	vadd.f32 v4, v6  }
0x65: {  	v53 =	vor.u32 $0x8, v2;
	v6 =	vld.idx.msk [tilespmem:v12+s24+$0x0], $0xffff  }
0x66: {  	v54 =	vld.idx.msk [tilespmem:v50+s23+$0x0], $0xffff;
	v4 =	vadd.f32 v5, v4;
	v5 =	vmul.f32 v7, v13  }
0x67: {  	v55 =	vor.u32 $0x9, v2;
	v7 =	vld.idx.msk [tilespmem:v50+s24+$0x0], $0xffff  }
0x68: {  	v56 =	vld.idx.msk [tilespmem:v52+s23+$0x0], $0xffff;
	v4 =	vadd.f32 v5, v4;
	v5 =	vmul.f32 v51, v14  }
0x69: {  	v58 =	vor.u32 $0xA, v2;
	v57 =	vld.idx.msk [tilespmem:v52+s24+$0x0], $0xffff  }
0x6a: {  	v59 =	vld.idx.msk [tilespmem:v53+s23+$0x0], $0xffff;
	v4 =	vadd.f32 v5, v4;
	v5 =	vmul.f32 v6, v15  }
0x6b: {  	v60 =	vor.u32 $0xB, v2;
	v6 =	vld.idx.msk [tilespmem:v53+s24+$0x0], $0xffff  }
0x6c: {  	v61 =	vld.idx.msk [tilespmem:v55+s23+$0x0], $0xffff;
	v4 =	vadd.f32 v5, v4;
	v5 =	vmul.f32 v7, v54  }
0x6d: {  	v62 =	vor.u32 $0xC, v2;
	v7 =	vld.idx.msk [tilespmem:v55+s24+$0x0], $0xffff  }
0x6e: {  	v63 =	vld.idx.msk [tilespmem:v58+s23+$0x0], $0xffff;
	v4 =	vadd.f32 v5, v4;
	v5 =	vmul.f32 v57, v56  }
0x6f: {  	v19 =	vor.u32 $0xD, v2;
	v18 =	vld.idx.msk [tilespmem:v58+s24+$0x0], $0xffff  }
0x70: {  	v20 =	vld.idx.msk [tilespmem:v60+s23+$0x0], $0xffff;
	v4 =	vadd.f32 v5, v4;
	v5 =	vmul.f32 v6, v59  }
0x71: {  	v21 =	vor.u32 $0xE, v2;
	v6 =	vld.idx.msk [tilespmem:v60+s24+$0x0], $0xffff  }
0x72: {  	v22 =	vld.idx.msk [tilespmem:v62+s23+$0x0], $0xffff;
	v4 =	vadd.f32 v5, v4;
	v5 =	vmul.f32 v7, v61  }
0x73: {  	v23 =	vor.u32 $0xF, v2;
	v7 =	vld.idx.msk [tilespmem:v62+s24+$0x0], $0xffff  }
0x74: {  	v24 =	vld.idx.msk [tilespmem:v19+s23+$0x0], $0xffff;
	v4 =	vadd.f32 v5, v4;
	v5 =	vmul.f32 v18, v63  }
0x75: {  	v26 =	vor.u32 $0x10, v2;
	v25 =	vld.idx.msk [tilespmem:v19+s24+$0x0], $0xffff  }
0x76: {  	v27 =	vld.idx.msk [tilespmem:v21+s23+$0x0], $0xffff;
	v4 =	vadd.f32 v5, v4;
	v5 =	vmul.f32 v6, v20  }
0x77: {  	v28 =	vor.u32 $0x11, v2;
	v6 =	vld.idx.msk [tilespmem:v21+s24+$0x0], $0xffff  }
0x78: {  	v29 =	vld.idx.msk [tilespmem:v23+s23+$0x0], $0xffff;
	v4 =	vadd.f32 v5, v4;
	v5 =	vmul.f32 v7, v22  }
0x79: {  	v30 =	vor.u32 $0x12, v2;
	v7 =	vld.idx.msk [tilespmem:v23+s24+$0x0], $0xffff  }
0x7a: {  	v31 =	vld.idx.msk [tilespmem:v26+s23+$0x0], $0xffff;
	v4 =	vadd.f32 v5, v4;
	v5 =	vmul.f32 v25, v24  }
0x7b: {  	v33 =	vor.u32 $0x13, v2;
	v32 =	vld.idx.msk [tilespmem:v26+s24+$0x0], $0xffff  }
0x7c: {  	v34 =	vld.idx.msk [tilespmem:v28+s23+$0x0], $0xffff;
	v4 =	vadd.f32 v5, v4;
	v5 =	vmul.f32 v6, v27  }
0x7d: {  	v35 =	vor.u32 $0x14, v2;
	v6 =	vld.idx.msk [tilespmem:v28+s24+$0x0], $0xffff  }
0x7e: {  	v36 =	vld.idx.msk [tilespmem:v30+s23+$0x0], $0xffff;
	v4 =	vadd.f32 v5, v4;
	v5 =	vmul.f32 v7, v29  }
0x7f: {  	v37 =	vor.u32 $0x15, v2;
	v7 =	vld.idx.msk [tilespmem:v30+s24+$0x0], $0xffff  }
0x80: {  	v38 =	vld.idx.msk [tilespmem:v33+s23+$0x0], $0xffff;
	v4 =	vadd.f32 v5, v4;
	v5 =	vmul.f32 v32, v31  }
0x81: {  	v40 =	vor.u32 $0x16, v2;
	v39 =	vld.idx.msk [tilespmem:v33+s24+$0x0], $0xffff  }
0x82: {  	v41 =	vld.idx.msk [tilespmem:v35+s23+$0x0], $0xffff;
	v4 =	vadd.f32 v5, v4;
	v5 =	vmul.f32 v6, v34  }
0x83: {  	v42 =	vor.u32 $0x17, v2;
	v6 =	vld.idx.msk [tilespmem:v35+s24+$0x0], $0xffff  }
0x84: {  	v43 =	vld.idx.msk [tilespmem:v37+s23+$0x0], $0xffff;
	v4 =	vadd.f32 v5, v4;
	v5 =	vmul.f32 v7, v36  }
0x85: {  	v44 =	vor.u32 $0x18, v2;
	v7 =	vld.idx.msk [tilespmem:v37+s24+$0x0], $0xffff  }
0x86: {  	v45 =	vld.idx.msk [tilespmem:v40+s23+$0x0], $0xffff;
	v4 =	vadd.f32 v5, v4;
	v5 =	vmul.f32 v39, v38  }
0x87: {  	v47 =	vor.u32 $0x19, v2;
	v46 =	vld.idx.msk [tilespmem:v40+s24+$0x0], $0xffff  }
0x88: {  	v48 =	vld.idx.msk [tilespmem:v42+s23+$0x0], $0xffff;
	v4 =	vadd.f32 v5, v4;
	v5 =	vmul.f32 v6, v41  }
0x89: {  	v49 =	vor.u32 $0x1A, v2;
	v6 =	vld.idx.msk [tilespmem:v42+s24+$0x0], $0xffff  }
0x8a: {  	v50 =	vld.idx.msk [tilespmem:v44+s23+$0x0], $0xffff;
	v4 =	vadd.f32 v5, v4;
	v5 =	vmul.f32 v7, v43  }
0x8b: {  	v51 =	vor.u32 $0x1B, v2;
	v7 =	vld.idx.msk [tilespmem:v44+s24+$0x0], $0xffff  }
0x8c: {  	v52 =	vld.idx.msk [tilespmem:v47+s23+$0x0], $0xffff;
	v4 =	vadd.f32 v5, v4;
	v5 =	vmul.f32 v46, v45  }
0x8d: {  	v53 =	vld.idx.msk [tilespmem:v47+s24+$0x0], $0xffff;
	v54 =	vor.u32 $0x1C, v2  }
0x8e: {  	v55 =	vld.idx.msk [tilespmem:v49+s23+$0x0], $0xffff;
	v4 =	vadd.f32 v5, v4;
	v5 =	vmul.f32 v6, v48  }
0x8f: {  	v56 =	vor.u32 $0x1D, v2;
	v6 =	vld.idx.msk [tilespmem:v49+s24+$0x0], $0xffff  }
0x90: {  	v57 =	vld.idx.msk [tilespmem:v51+s23+$0x0], $0xffff;
	v4 =	vadd.f32 v5, v4;
	v5 =	vmul.f32 v7, v50  }
0x91: {  	v58 =	vor.u32 $0x1E, v2;
	v7 =	vld.idx.msk [tilespmem:v51+s24+$0x0], $0xffff  }
0x92: {  	v59 =	vld.idx.msk [tilespmem:v54+s23+$0x0], $0xffff;
	v4 =	vadd.f32 v5, v4;
	v5 =	vmul.f32 v53, v52  }
0x93: {  	v2 =	vor.u32 $0x1F, v2;
	v60 =	vld.idx.msk [tilespmem:v54+s24+$0x0], $0xffff  }
0x94: {  	v61 =	vld.idx.msk [tilespmem:v56+s23+$0x0], $0xffff;
	v4 =	vadd.f32 v5, v4;
	v5 =	vmul.f32 v6, v55  }
0x95: {  	v6 =	vld.idx.msk [tilespmem:v56+s24+$0x0], $0xffff  }
0x96: {  	v62 =	vld.idx.msk [tilespmem:v58+s23+$0x0], $0xffff;
	v4 =	vadd.f32 v5, v4;
	v5 =	vmul.f32 v7, v57  }
0x97: {  	v7 =	vld.idx.msk [tilespmem:v58+s24+$0x0], $0xffff  }
0x98: {  	v63 =	vld.idx.msk [tilespmem:v2+s23+$0x0], $0xffff;
	v4 =	vadd.f32 v5, v4;
	v5 =	vmul.f32 v60, v59  }
0x99: {  	v2 =	vld.idx.msk [tilespmem:v2+s24+$0x0], $0xffff  }
0x9a: {  	v4 =	vadd.f32 v5, v4;
	v5 =	vmul.f32 v6, v61;
	_ =	sdelay $0x1  }
0x9b: {  	v4 =	vadd.f32 v5, v4;
	v5 =	vmul.f32 v7, v62;
	_ =	sdelay $0x1  }
0x9c: {  	v2 =	vmul.f32 v2, v63;
	v4 =	vadd.f32 v5, v4;
	_ =	sdelay $0x1  }
0x9d: {  	v2 =	vadd.f32 v2, v4;
	_ =	sdelay $0x1  }
0x9e: {  	v2 =	vsub.f32 $0.0e+00, v2;
	_ =	sdelay $0x1  }
0x9f: {  	v2 =	vmul.f32 $1.442695020e+00, v2;
	_ =	sdelay $0x1  }
0xa0: {  	(erf) = vpow2.f32 v2;
	_ =	sdelay $0x8  }
0xa1: {  	v2 =	vpop (erf)  }
0xa2: {  	v4 =	vadd.f32 $1.000000000e+00, v2;
	_ =	sdelay $0x1  }
0xa3: {  	(erf) = vrcp.f32 v4;
	_ =	sdelay $0x3  }
0xa4: {  	s26 =	simm.s32 $0x10  }
0xa5: {  	v2 =	vor.u32 s26, v0;
	v4 =	vand.u32 v1, v3  }
0xa6: {  	s26 =	simm.s32 $0x20;
	v3 =	vshll.u32 v2, $0x5  }
.LBB2_2:
0xa7: {  	p0 =	sne.s32 s26, $0x1F0  }
0xa8: {  	v5 =	vor.u32 $0x1, v3  }
0xa9: {  	v6 =	vpop (erf)  }
0xaa: {  	v7 =	vor.u32 $0x2, v3;
	[tilespmem:v4+s2+$0x0] =	vst.idx.msk $0xffff, v6  }
0xab: {  	v4 =	vld.idx.msk [tilespmem:v3+s24+$0x0], $0xffff  }
0xac: {  	v8 =	vor.u32 $0x3, v3;
	v6 =	vld.idx.msk [tilespmem:v3+s23+$0x0], $0xffff  }
0xad: {  	v9 =	vld.idx.msk [tilespmem:v5+s23+$0x0], $0xffff  }
0xae: {  	v10 =	vor.u32 $0x4, v3;
	v5 =	vld.idx.msk [tilespmem:v5+s24+$0x0], $0xffff  }
0xaf: {  	v11 =	vld.idx.msk [tilespmem:v7+s23+$0x0], $0xffff  }
0xb0: {  	v12 =	vor.u32 $0x5, v3;
	v7 =	vld.idx.msk [tilespmem:v7+s24+$0x0], $0xffff  }
0xb1: {  	v13 =	vld.idx.msk [tilespmem:v8+s23+$0x0], $0xffff  }
0xb2: {  	v4 =	vmul.f32 v4, v6;
	v6 =	vld.idx.msk [tilespmem:v8+s24+$0x0], $0xffff;
	v8 =	vor.u32 $0x6, v3  }
0xb3: {  	v14 =	vld.idx.msk [tilespmem:v10+s23+$0x0], $0xffff  }
0xb4: {  	v4 =	vadd.f32 $0.0e+00, v4;
	v5 =	vmul.f32 v5, v9;
	v9 =	vld.idx.msk [tilespmem:v10+s24+$0x0], $0xffff;
	v10 =	vor.u32 $0x7, v3  }
0xb5: {  	v15 =	vld.idx.msk [tilespmem:v12+s23+$0x0], $0xffff  }
0xb6: {  	v4 =	vadd.f32 v5, v4;
	v5 =	vmul.f32 v7, v11;
	v11 =	vor.u32 $0x8, v3;
	v7 =	vld.idx.msk [tilespmem:v12+s24+$0x0], $0xffff  }
0xb7: {  	v12 =	vld.idx.msk [tilespmem:v8+s23+$0x0], $0xffff  }
0xb8: {  	v4 =	vadd.f32 v5, v4;
	v5 =	vmul.f32 v6, v13;
	v6 =	vld.idx.msk [tilespmem:v8+s24+$0x0], $0xffff;
	v8 =	vor.u32 $0x9, v3  }
0xb9: {  	v13 =	vld.idx.msk [tilespmem:v10+s23+$0x0], $0xffff  }
0xba: {  	v4 =	vadd.f32 v5, v4;
	v5 =	vmul.f32 v9, v14;
	v9 =	vld.idx.msk [tilespmem:v10+s24+$0x0], $0xffff;
	v10 =	vor.u32 $0xA, v3  }
0xbb: {  	v14 =	vld.idx.msk [tilespmem:v11+s23+$0x0], $0xffff  }
0xbc: {  	v4 =	vadd.f32 v5, v4;
	v5 =	vmul.f32 v7, v15;
	v7 =	vld.idx.msk [tilespmem:v11+s24+$0x0], $0xffff;
	v11 =	vor.u32 $0xB, v3  }
0xbd: {  	v15 =	vld.idx.msk [tilespmem:v8+s23+$0x0], $0xffff  }
0xbe: {  	v4 =	vadd.f32 v5, v4;
	v5 =	vmul.f32 v6, v12;
	v6 =	vld.idx.msk [tilespmem:v8+s24+$0x0], $0xffff;
	v8 =	vor.u32 $0xC, v3  }
0xbf: {  	v12 =	vld.idx.msk [tilespmem:v10+s23+$0x0], $0xffff  }
0xc0: {  	v4 =	vadd.f32 v5, v4;
	v5 =	vmul.f32 v9, v13;
	v9 =	vld.idx.msk [tilespmem:v10+s24+$0x0], $0xffff;
	v10 =	vor.u32 $0xD, v3  }
0xc1: {  	v13 =	vld.idx.msk [tilespmem:v11+s23+$0x0], $0xffff  }
0xc2: {  	v4 =	vadd.f32 v5, v4;
	v5 =	vmul.f32 v7, v14;
	v7 =	vld.idx.msk [tilespmem:v11+s24+$0x0], $0xffff;
	v11 =	vor.u32 $0xE, v3  }
0xc3: {  	v14 =	vld.idx.msk [tilespmem:v8+s23+$0x0], $0xffff  }
0xc4: {  	v4 =	vadd.f32 v5, v4;
	v5 =	vmul.f32 v6, v15;
	v6 =	vld.idx.msk [tilespmem:v8+s24+$0x0], $0xffff;
	v8 =	vor.u32 $0xF, v3  }
0xc5: {  	v15 =	vld.idx.msk [tilespmem:v10+s23+$0x0], $0xffff  }
0xc6: {  	v4 =	vadd.f32 v5, v4;
	v5 =	vmul.f32 v9, v12;
	v9 =	vld.idx.msk [tilespmem:v10+s24+$0x0], $0xffff;
	v10 =	vor.u32 $0x10, v3  }
0xc7: {  	v12 =	vld.idx.msk [tilespmem:v11+s23+$0x0], $0xffff  }
0xc8: {  	v4 =	vadd.f32 v5, v4;
	v5 =	vmul.f32 v7, v13;
	v7 =	vld.idx.msk [tilespmem:v11+s24+$0x0], $0xffff;
	v11 =	vor.u32 $0x11, v3  }
0xc9: {  	v13 =	vld.idx.msk [tilespmem:v8+s23+$0x0], $0xffff  }
0xca: {  	v4 =	vadd.f32 v5, v4;
	v5 =	vmul.f32 v6, v14;
	v6 =	vld.idx.msk [tilespmem:v8+s24+$0x0], $0xffff;
	v8 =	vor.u32 $0x12, v3  }
0xcb: {  	v14 =	vld.idx.msk [tilespmem:v10+s23+$0x0], $0xffff  }
0xcc: {  	v4 =	vadd.f32 v5, v4;
	v5 =	vmul.f32 v9, v15;
	v9 =	vld.idx.msk [tilespmem:v10+s24+$0x0], $0xffff;
	v10 =	vor.u32 $0x13, v3  }
0xcd: {  	v15 =	vld.idx.msk [tilespmem:v11+s23+$0x0], $0xffff  }
0xce: {  	v4 =	vadd.f32 v5, v4;
	v5 =	vmul.f32 v7, v12;
	v7 =	vld.idx.msk [tilespmem:v11+s24+$0x0], $0xffff;
	v11 =	vor.u32 $0x14, v3  }
0xcf: {  	v12 =	vld.idx.msk [tilespmem:v8+s23+$0x0], $0xffff  }
0xd0: {  	v4 =	vadd.f32 v5, v4;
	v5 =	vmul.f32 v6, v13;
	v6 =	vld.idx.msk [tilespmem:v8+s24+$0x0], $0xffff;
	v8 =	vor.u32 $0x15, v3  }
0xd1: {  	v13 =	vld.idx.msk [tilespmem:v10+s23+$0x0], $0xffff  }
0xd2: {  	v4 =	vadd.f32 v5, v4;
	v5 =	vmul.f32 v9, v14;
	v9 =	vld.idx.msk [tilespmem:v10+s24+$0x0], $0xffff;
	v10 =	vor.u32 $0x16, v3  }
0xd3: {  	v14 =	vld.idx.msk [tilespmem:v11+s23+$0x0], $0xffff  }
0xd4: {  	v4 =	vadd.f32 v5, v4;
	v5 =	vmul.f32 v7, v15;
	v7 =	vld.idx.msk [tilespmem:v11+s24+$0x0], $0xffff;
	v11 =	vor.u32 $0x17, v3  }
0xd5: {  	v15 =	vld.idx.msk [tilespmem:v8+s23+$0x0], $0xffff  }
0xd6: {  	v4 =	vadd.f32 v5, v4;
	v5 =	vmul.f32 v6, v12;
	v6 =	vld.idx.msk [tilespmem:v8+s24+$0x0], $0xffff;
	v8 =	vor.u32 $0x18, v3  }
0xd7: {  	v12 =	vld.idx.msk [tilespmem:v10+s23+$0x0], $0xffff  }
0xd8: {  	v4 =	vadd.f32 v5, v4;
	v5 =	vmul.f32 v9, v13;
	v9 =	vld.idx.msk [tilespmem:v10+s24+$0x0], $0xffff;
	v10 =	vor.u32 $0x19, v3  }
0xd9: {  	v13 =	vld.idx.msk [tilespmem:v11+s23+$0x0], $0xffff  }
0xda: {  	v4 =	vadd.f32 v5, v4;
	v5 =	vmul.f32 v7, v14;
	v7 =	vld.idx.msk [tilespmem:v11+s24+$0x0], $0xffff;
	v11 =	vor.u32 $0x1A, v3  }
0xdb: {  	v14 =	vld.idx.msk [tilespmem:v8+s23+$0x0], $0xffff  }
0xdc: {  	v4 =	vadd.f32 v5, v4;
	v5 =	vmul.f32 v6, v15;
	v6 =	vld.idx.msk [tilespmem:v8+s24+$0x0], $0xffff;
	v8 =	vor.u32 $0x1B, v3  }
0xdd: {  	v15 =	vld.idx.msk [tilespmem:v10+s23+$0x0], $0xffff  }
0xde: {  	v4 =	vadd.f32 v5, v4;
	v5 =	vmul.f32 v9, v12;
	v9 =	vld.idx.msk [tilespmem:v10+s24+$0x0], $0xffff;
	v10 =	vor.u32 $0x1C, v3  }
0xdf: {  	v12 =	vld.idx.msk [tilespmem:v11+s23+$0x0], $0xffff  }
0xe0: {  	v4 =	vadd.f32 v5, v4;
	v5 =	vmul.f32 v7, v13;
	v7 =	vld.idx.msk [tilespmem:v11+s24+$0x0], $0xffff;
	v11 =	vor.u32 $0x1D, v3  }
0xe1: {  	v13 =	vld.idx.msk [tilespmem:v8+s23+$0x0], $0xffff  }
0xe2: {  	v4 =	vadd.f32 v5, v4;
	v5 =	vmul.f32 v6, v14;
	v6 =	vld.idx.msk [tilespmem:v8+s24+$0x0], $0xffff;
	v8 =	vor.u32 $0x1E, v3  }
0xe3: {  	v14 =	vld.idx.msk [tilespmem:v10+s23+$0x0], $0xffff  }
0xe4: {  	v3 =	vor.u32 $0x1F, v3;
	v4 =	vadd.f32 v5, v4;
	v5 =	vmul.f32 v9, v15;
	v9 =	vld.idx.msk [tilespmem:v10+s24+$0x0], $0xffff  }
0xe5: {  	v10 =	vld.idx.msk [tilespmem:v11+s23+$0x0], $0xffff  }
0xe6: {  	v4 =	vadd.f32 v5, v4;
	v5 =	vmul.f32 v7, v12;
	v7 =	vld.idx.msk [tilespmem:v11+s24+$0x0], $0xffff  }
0xe7: {  	v11 =	vld.idx.msk [tilespmem:v8+s23+$0x0], $0xffff  }
0xe8: {  	v4 =	vadd.f32 v5, v4;
	v5 =	vmul.f32 v6, v13;
	v6 =	vld.idx.msk [tilespmem:v8+s24+$0x0], $0xffff  }
0xe9: {  	v8 =	vld.idx.msk [tilespmem:v3+s23+$0x0], $0xffff  }
0xea: {  	v4 =	vadd.f32 v5, v4;
	v5 =	vmul.f32 v9, v14;
	v3 =	vld.idx.msk [tilespmem:v3+s24+$0x0], $0xffff;
	_ =	sdelay $0x1  }
0xeb: {  	v4 =	vadd.f32 v5, v4;
	v5 =	vmul.f32 v7, v10;
	_ =	sdelay $0x1  }
0xec: {  	v4 =	vadd.f32 v5, v4;
	v5 =	vmul.f32 v6, v11;
	_ =	sdelay $0x1  }
0xed: {  	v4 =	vadd.f32 v5, v4;
	v3 =	vmul.f32 v3, v8;
	_ =	sdelay $0x1  }
0xee: {  	v3 =	vadd.f32 v3, v4;
	_ =	sdelay $0x1  }
0xef: {  	v3 =	vsub.f32 $0.0e+00, v3;
	_ =	sdelay $0x1  }
0xf0: {  	v3 =	vmul.f32 $1.442695020e+00, v3;
	_ =	sdelay $0x1  }
0xf1: {  	(erf) = vpow2.f32 v3;
	_ =	sdelay $0x8  }
0xf2: {  	v3 =	vpop (erf)  }
0xf3: {  	v3 =	vadd.f32 $1.000000000e+00, v3;
	_ =	sdelay $0x1  }
0xf4: {  	(erf) = vrcp.f32 v3;
	_ =	sdelay $0x1  }
.Ltmp0:
0xf5: {  	(pc) =	sbr.rel @p0 .LBB2_2-.Ltmp0, $3  }
0xf6: {  	_ =	sdelay $0x1  }
0xf7: {  	v4 =	vand.u32 v1, v2;
	v2 =	vor.u32 s26, v0  }
0xf8: {  	s26 =	sadd.s32 $0x10, s26;
	v3 =	vshll.u32 v2, $0x5  }
0xf9: {  	_ =	sdelay $0x1  }
0xfa: {  	v5 =	vor.u32 $0x1, v3  }
0xfb: {  	v6 =	vpop (erf)  }
0xfc: {  	v7 =	vor.u32 $0x2, v3;
	[tilespmem:v4+s2+$0x0] =	vst.idx.msk $0xffff, v6  }
0xfd: {  	v4 =	vld.idx.msk [tilespmem:v3+s24+$0x0], $0xffff  }
0xfe: {  	v8 =	vor.u32 $0x3, v3;
	v6 =	vld.idx.msk [tilespmem:v3+s23+$0x0], $0xffff  }
0xff: {  	v9 =	vld.idx.msk [tilespmem:v5+s23+$0x0], $0xffff  }
0x100: {  	v10 =	vor.u32 $0x4, v3;
	v5 =	vld.idx.msk [tilespmem:v5+s24+$0x0], $0xffff  }
0x101: {  	v11 =	vld.idx.msk [tilespmem:v7+s23+$0x0], $0xffff  }
0x102: {  	v12 =	vor.u32 $0x5, v3;
	v7 =	vld.idx.msk [tilespmem:v7+s24+$0x0], $0xffff  }
0x103: {  	v13 =	vld.idx.msk [tilespmem:v8+s23+$0x0], $0xffff;
	v4 =	vmul.f32 v4, v6  }
0x104: {  	v49 =	vor.u32 $0x6, v3;
	v48 =	vld.idx.msk [tilespmem:v8+s24+$0x0], $0xffff  }
0x105: {  	v14 =	vld.idx.msk [tilespmem:v10+s23+$0x0], $0xffff;
	v5 =	vmul.f32 v5, v9;
	v4 =	vadd.f32 $0.0e+00, v4  }
0x106: {  	v51 =	vor.u32 $0x7, v3;
	v50 =	vld.idx.msk [tilespmem:v10+s24+$0x0], $0xffff  }
0x107: {  	v15 =	vld.idx.msk [tilespmem:v12+s23+$0x0], $0xffff;
	v52 =	vmul.f32 v7, v11;
	v4 =	vadd.f32 v5, v4  }
0x108: {  	v54 =	vor.u32 $0x8, v3;
	v53 =	vld.idx.msk [tilespmem:v12+s24+$0x0], $0xffff  }
0x109: {  	v55 =	vld.idx.msk [tilespmem:v49+s23+$0x0], $0xffff;
	v56 =	vmul.f32 v48, v13;
	v4 =	vadd.f32 v52, v4  }
0x10a: {  	v58 =	vor.u32 $0x9, v3;
	v57 =	vld.idx.msk [tilespmem:v49+s24+$0x0], $0xffff  }
0x10b: {  	v59 =	vld.idx.msk [tilespmem:v51+s23+$0x0], $0xffff;
	v60 =	vmul.f32 v50, v14;
	v4 =	vadd.f32 v56, v4  }
0x10c: {  	v62 =	vor.u32 $0xA, v3;
	v61 =	vld.idx.msk [tilespmem:v51+s24+$0x0], $0xffff  }
0x10d: {  	v63 =	vld.idx.msk [tilespmem:v54+s23+$0x0], $0xffff;
	v18 =	vmul.f32 v53, v15;
	v4 =	vadd.f32 v60, v4  }
0x10e: {  	v20 =	vor.u32 $0xB, v3;
	v19 =	vld.idx.msk [tilespmem:v54+s24+$0x0], $0xffff  }
0x10f: {  	v21 =	vld.idx.msk [tilespmem:v58+s23+$0x0], $0xffff;
	v22 =	vmul.f32 v57, v55;
	v4 =	vadd.f32 v18, v4  }
0x110: {  	v24 =	vor.u32 $0xC, v3;
	v23 =	vld.idx.msk [tilespmem:v58+s24+$0x0], $0xffff  }
0x111: {  	v25 =	vld.idx.msk [tilespmem:v62+s23+$0x0], $0xffff;
	v26 =	vmul.f32 v61, v59;
	v4 =	vadd.f32 v22, v4  }
0x112: {  	v28 =	vor.u32 $0xD, v3;
	v27 =	vld.idx.msk [tilespmem:v62+s24+$0x0], $0xffff  }
0x113: {  	v29 =	vld.idx.msk [tilespmem:v20+s23+$0x0], $0xffff;
	v30 =	vmul.f32 v19, v63;
	v4 =	vadd.f32 v26, v4  }
0x114: {  	v32 =	vor.u32 $0xE, v3;
	v31 =	vld.idx.msk [tilespmem:v20+s24+$0x0], $0xffff  }
0x115: {  	v33 =	vld.idx.msk [tilespmem:v24+s23+$0x0], $0xffff;
	v34 =	vmul.f32 v23, v21;
	v4 =	vadd.f32 v30, v4  }
0x116: {  	v36 =	vor.u32 $0xF, v3;
	v35 =	vld.idx.msk [tilespmem:v24+s24+$0x0], $0xffff  }
0x117: {  	v37 =	vld.idx.msk [tilespmem:v28+s23+$0x0], $0xffff;
	v38 =	vmul.f32 v27, v25;
	v4 =	vadd.f32 v34, v4  }
0x118: {  	v40 =	vor.u32 $0x10, v3;
	v39 =	vld.idx.msk [tilespmem:v28+s24+$0x0], $0xffff  }
0x119: {  	v41 =	vld.idx.msk [tilespmem:v32+s23+$0x0], $0xffff;
	v42 =	vmul.f32 v31, v29;
	v4 =	vadd.f32 v38, v4  }
0x11a: {  	v44 =	vor.u32 $0x11, v3;
	v43 =	vld.idx.msk [tilespmem:v32+s24+$0x0], $0xffff  }
0x11b: {  	v45 =	vld.idx.msk [tilespmem:v36+s23+$0x0], $0xffff;
	v46 =	vmul.f32 v35, v33;
	v4 =	vadd.f32 v42, v4  }
0x11c: {  	v47 =	vld.idx.msk [tilespmem:v36+s24+$0x0], $0xffff;
	v48 =	vor.u32 $0x12, v3  }
0x11d: {  	v49 =	vld.idx.msk [tilespmem:v40+s23+$0x0], $0xffff;
	v50 =	vmul.f32 v39, v37;
	v4 =	vadd.f32 v46, v4  }
0x11e: {  	v51 =	vld.idx.msk [tilespmem:v40+s24+$0x0], $0xffff;
	v52 =	vor.u32 $0x13, v3  }
0x11f: {  	v53 =	vld.idx.msk [tilespmem:v44+s23+$0x0], $0xffff;
	v54 =	vmul.f32 v43, v41;
	v4 =	vadd.f32 v50, v4  }
0x120: {  	v55 =	vld.idx.msk [tilespmem:v44+s24+$0x0], $0xffff;
	v56 =	vor.u32 $0x14, v3  }
0x121: {  	v58 =	vmul.f32 v47, v45;
	v57 =	vld.idx.msk [tilespmem:v48+s23+$0x0], $0xffff;
	v4 =	vadd.f32 v54, v4  }
0x122: {  	v59 =	vld.idx.msk [tilespmem:v48+s24+$0x0], $0xffff;
	v60 =	vor.u32 $0x15, v3  }
0x123: {  	v62 =	vmul.f32 v51, v49;
	v61 =	vld.idx.msk [tilespmem:v52+s23+$0x0], $0xffff;
	v4 =	vadd.f32 v58, v4  }
0x124: {  	v63 =	vld.idx.msk [tilespmem:v52+s24+$0x0], $0xffff;
	v18 =	vor.u32 $0x16, v3  }
0x125: {  	v20 =	vmul.f32 v55, v53;
	v19 =	vld.idx.msk [tilespmem:v56+s23+$0x0], $0xffff;
	v4 =	vadd.f32 v62, v4  }
0x126: {  	v21 =	vld.idx.msk [tilespmem:v56+s24+$0x0], $0xffff;
	v22 =	vor.u32 $0x17, v3  }
0x127: {  	v24 =	vmul.f32 v59, v57;
	v23 =	vld.idx.msk [tilespmem:v60+s23+$0x0], $0xffff;
	v4 =	vadd.f32 v20, v4  }
0x128: {  	v25 =	vld.idx.msk [tilespmem:v60+s24+$0x0], $0xffff;
	v26 =	vor.u32 $0x18, v3  }
0x129: {  	v28 =	vmul.f32 v63, v61;
	v27 =	vld.idx.msk [tilespmem:v18+s23+$0x0], $0xffff;
	v4 =	vadd.f32 v24, v4  }
0x12a: {  	v29 =	vld.idx.msk [tilespmem:v18+s24+$0x0], $0xffff;
	v30 =	vor.u32 $0x19, v3  }
0x12b: {  	v32 =	vmul.f32 v21, v19;
	v31 =	vld.idx.msk [tilespmem:v22+s23+$0x0], $0xffff;
	v4 =	vadd.f32 v28, v4  }
0x12c: {  	v33 =	vld.idx.msk [tilespmem:v22+s24+$0x0], $0xffff;
	v34 =	vor.u32 $0x1A, v3  }
0x12d: {  	v36 =	vmul.f32 v25, v23;
	v35 =	vld.idx.msk [tilespmem:v26+s23+$0x0], $0xffff;
	v4 =	vadd.f32 v32, v4  }
0x12e: {  	v37 =	vld.idx.msk [tilespmem:v26+s24+$0x0], $0xffff;
	v38 =	vor.u32 $0x1B, v3  }
0x12f: {  	v40 =	vmul.f32 v29, v27;
	v39 =	vld.idx.msk [tilespmem:v30+s23+$0x0], $0xffff;
	v4 =	vadd.f32 v36, v4  }
0x130: {  	v41 =	vld.idx.msk [tilespmem:v30+s24+$0x0], $0xffff;
	v42 =	vor.u32 $0x1C, v3  }
0x131: {  	v44 =	vmul.f32 v33, v31;
	v43 =	vld.idx.msk [tilespmem:v34+s23+$0x0], $0xffff;
	v4 =	vadd.f32 v40, v4  }
0x132: {  	v45 =	vld.idx.msk [tilespmem:v34+s24+$0x0], $0xffff;
	v46 =	vor.u32 $0x1D, v3  }
0x133: {  	v48 =	vmul.f32 v37, v35;
	v47 =	vld.idx.msk [tilespmem:v38+s23+$0x0], $0xffff;
	v4 =	vadd.f32 v44, v4  }
0x134: {  	v49 =	vld.idx.msk [tilespmem:v38+s24+$0x0], $0xffff;
	v50 =	vor.u32 $0x1E, v3  }
0x135: {  	v52 =	vmul.f32 v41, v39;
	v51 =	vld.idx.msk [tilespmem:v42+s23+$0x0], $0xffff;
	v4 =	vadd.f32 v48, v4  }
0x136: {  	v3 =	vor.u32 $0x1F, v3;
	v53 =	vld.idx.msk [tilespmem:v42+s24+$0x0], $0xffff  }
0x137: {  	v55 =	vmul.f32 v45, v43;
	v54 =	vld.idx.msk [tilespmem:v46+s23+$0x0], $0xffff;
	v4 =	vadd.f32 v52, v4  }
0x138: {  	v56 =	vld.idx.msk [tilespmem:v46+s24+$0x0], $0xffff  }
0x139: {  	v58 =	vmul.f32 v49, v47;
	v57 =	vld.idx.msk [tilespmem:v50+s23+$0x0], $0xffff;
	v4 =	vadd.f32 v55, v4  }
0x13a: {  	v59 =	vld.idx.msk [tilespmem:v50+s24+$0x0], $0xffff  }
0x13b: {  	v60 =	vld.idx.msk [tilespmem:v3+s23+$0x0], $0xffff;
	v61 =	vmul.f32 v53, v51;
	v4 =	vadd.f32 v58, v4  }
0x13c: {  	v3 =	vld.idx.msk [tilespmem:v3+s24+$0x0], $0xffff  }
0x13d: {  	v62 =	vmul.f32 v56, v54;
	v4 =	vadd.f32 v61, v4;
	_ =	sdelay $0x1  }
0x13e: {  	v63 =	vmul.f32 v59, v57;
	v4 =	vadd.f32 v62, v4;
	_ =	sdelay $0x1  }
0x13f: {  	v3 =	vmul.f32 v3, v60;
	v4 =	vadd.f32 v63, v4;
	_ =	sdelay $0x1  }
0x140: {  	v3 =	vadd.f32 v3, v4;
	_ =	sdelay $0x1  }
0x141: {  	v3 =	vsub.f32 $0.0e+00, v3;
	_ =	sdelay $0x1  }
0x142: {  	v3 =	vmul.f32 $1.442695020e+00, v3;
	_ =	sdelay $0x1  }
0x143: {  	(erf) = vpow2.f32 v3;
	_ =	sdelay $0x8  }
0x144: {  	v3 =	vpop (erf)  }
0x145: {  	v3 =	vadd.f32 $1.000000000e+00, v3;
	_ =	sdelay $0x1  }
0x146: {  	(erf) = vrcp.f32 v3;
	_ =	sdelay $0x4  }
0x147: {  	v2 =	vand.u32 v1, v2;
	_ =	sdelay $0x2  }
0x148: {  	s25 =	sadd.s32 $0x1, s25  }
0x149: {  	p0 =	sne.s32 s25, s14;
	v3 =	vpop (erf)  }
.Ltmp1:
0x14a: {  	[tilespmem:v2+s2+$0x0] =	vst.idx.msk $0xffff, v3;
	(pc) =	sbr.rel @p0 .LBB2_1-.Ltmp1, $4  }
0x14b: {  	[hbm4b:s13+s1] =	stream.linear.scatter [tilespmem:s2], [sflag:$0x2], $0x200, $0x38;
	[tilespmem:$0x8600] =	vst v63  }
0x14c: {  	_ =	swait.ge [sflag:s15], $0x200  }
0x14d: {  	[sflag:s15] =	ssyncset.done $0x0  }
0x14e: {  	[sflag:s15] =	ssyncadd.s32 $0xFFFFFE00  }
0x14f: {  	_ =	sfence.sel $0x180000  }
0x150: {  	[bflag:$0x0] =	sbarrier.arrive $0xFFFF  }
0x151: {  	_ =	strace $0x90000047  }
0x152: {  	s0 =	stileid.u32;
	[bflag:$0x2] =	sbarrier.arrive $0xFFFF  }
0x153: {  	p0 =	sne.s32 s0, $0x0;
	s0 =	rddreg [dreg:$0x4]  }
0x154: {  	s0 =	sadd.s32 @!p0 $0x100000, s0  }
0x155: {  	[sflag:s0] =	ssyncadd.tile.s32 @!p0 $0x1;
	_ =	shalt  }
.Lfunc_end2:
_tile_overlayer_lowered:
.L_overlay_start_2:
0x156: {  	(tag) =	ssettag $0x2  }
0x157: {  	s0 =	rddreg [dreg:$0x0];
	s2 =	stileid.u32  }
0x158: {  	s1 =	rddreg [dreg:$0x1];
	p0 =	sne.s32 s2, $0x0  }
0x159: {  	s3 =	rddreg [dreg:$0x2];
	[bflag:$0x3] =	sbarrier.arrive $0xFFFF;
	s2 =	simm.s32 @!p0 $0x1C02  }
0x15a: {  	[timem:s3], [sflag:s2] =	dma.local @!p0 [hbm:s0], s1  }
0x15b: {  	s0 =	simm.s32 @!p0 $0x2  }
0x15c: {  	_ =	swait.ge @!p0 [sflag:s0], s1  }
0x15d: {  	s1 =	ssub.s32 @!p0 $0x0, s1;
	[sflag:s0] =	ssyncset.done @!p0 $0x0  }
0x15e: {  	[sflag:s0] =	ssyncadd.s32 @!p0 s1  }
0x15f: {  	[bflag:$0x3] =	sbarrier.arrive $0xFFFF  }
0x160: {  	_ =	shalt  }

</sc_bundles>
